<compile_context>
chip_gen: v7x
topology: tpu7x:2x2x1
jax: 0.10.2.dev20260603
libtpu: 0.0.44.dev20260713+nightly
codegen_flags: <defaults>
</compile_context>

<pallas_src>
import jax
import jax.numpy as jnp
from jax import lax
from jax.experimental import pallas as pl
from jax.experimental.pallas import tpu as pltpu
from jax.experimental.pallas import tpu_sc as plsc

B = 16384
XD = 512
YD = 64
NK = 64
HID = 2048
NP = NK // 2
TB = 256
NB = B // TB
TF = 512
NF = B // TF

_NC = 2
_NS = 16
_NW = _NC * _NS
_BPW = B // _NW
_CH = 64
_NCH = _BPW // _CH


def _labels_body(y_ref, c_ref, lab_ref, toh_ref):
    y = y_ref[...]
    c = c_ref[...]
    d2 = (jnp.sum(y * y, axis=1, keepdims=True)
          - 2.0 * jax.lax.dot_general(y, c, (((1,), (1,)), ((), ())),
                                      preferred_element_type=jnp.float32)
          + jnp.sum(c * c, axis=1)[None, :])
    lab = jnp.argmin(d2, axis=1).astype(jnp.int32)
    lab_ref[...] = jnp.broadcast_to(lab[:, None], (TB, NK))
    lane = lax.broadcasted_iota(jnp.int32, (TB, NK), 1)
    oh = (lane == lab[:, None]).astype(jnp.float32)
    ct = jnp.dot(oh, c, preferred_element_type=jnp.float32)
    toh_ref[...] = jnp.concatenate([y - ct, oh], axis=1)


def _fused_body(plo_ref, pcnt_ref, xs_ref, w1_ref, b1_ref, w2_ref, b2_ref,
                w3l_ref, b3l_ref, w3r_ref, b3r_ref, toh_ref, acc_ref):
    i = pl.program_id(0)
    HF = TF // 2
    w1 = w1_ref[...]
    w2 = w2_ref[...]

    def mlp_half(sl):
        xs = xs_ref[sl, :].astype(jnp.bfloat16)
        h1 = jnp.dot(xs, w1, preferred_element_type=jnp.float32)
        h1 = jnp.maximum(h1 + b1_ref[...], 0.0).astype(jnp.bfloat16)
        h2 = jnp.dot(h1, w2, preferred_element_type=jnp.float32)
        return jnp.maximum(h2 + b2_ref[...], 0.0).astype(jnp.bfloat16)

    h2a = mlp_half(pl.ds(0, HF))
    h2b_ = mlp_half(pl.ds(HF, HF))
    h2 = jnp.concatenate([h2a, h2b_], axis=0)

    logits = jnp.dot(h2, w3l_ref[...], preferred_element_type=jnp.float32)
    logits = logits + b3l_ref[...]
    oh = toh_ref[:, YD:]
    t = toh_ref[:, :YD]
    lane = lax.broadcasted_iota(jnp.int32, (TF, NK), 1)
    plo = plo_ref[i]
    pcnt = pcnt_ref[i]

    def pair_term(q, valid):
        w = w3r_ref[:, pl.ds(q * 2 * YD, 2 * YD)]
        p = jnp.dot(h2, w, preferred_element_type=jnp.float32)
        p = p + b3r_ref[:, pl.ds(q * 2 * YD, 2 * YD)]
        sel_lo = jnp.where(valid, jnp.where(lane == 2 * q, oh, 0.0), 0.0)
        sel_hi = jnp.where(valid, jnp.where(lane == 2 * q + 1, oh, 0.0), 0.0)
        rs_lo = jnp.sum(sel_lo, axis=1, keepdims=True)
        rs_hi = jnp.sum(sel_hi, axis=1, keepdims=True)
        d_lo = t - p[:, :YD]
        d_hi = t - p[:, YD:]
        return (jnp.sum(d_lo * d_lo * rs_lo)
                + jnp.sum(d_hi * d_hi * rs_hi))

    mse_part = pair_term(plo, True)
    q1 = jnp.minimum(plo + 1, NP - 1)
    mse_part = mse_part + pair_term(q1, jnp.logical_and(pcnt > 1,
                                                        plo + 1 < NP))

    def pair_step(kk, acc):
        return acc + pair_term(plo + kk, True)

    mse_part = lax.fori_loop(2, pcnt, pair_step, mse_part)

    m = jnp.max(logits, axis=1, keepdims=True)
    lse = m[:, 0] + jnp.log(jnp.sum(jnp.exp(logits - m), axis=1))
    picked = jnp.sum(logits * oh, axis=1)
    ce_part = jnp.sum(lse - picked)

    part = jnp.concatenate([jnp.full((1, 1), ce_part, jnp.float32),
                            jnp.full((1, 1), mse_part, jnp.float32)], axis=1)
    prev = jnp.where(i == 0, jnp.zeros((1, 2), jnp.float32), acc_ref[...])
    acc_ref[...] = prev + part


def _sc_gather_body(x_hbm, toh_hbm, sidx_hbm,
                    g1_hbm, g2_hbm,
                    idx_v, b1a, b1b, b2a, b2b, sga, sgb, swa, swb):
    wid = lax.axis_index("s") * _NC + lax.axis_index("c")
    base = wid * _BPW
    pltpu.sync_copy(sidx_hbm.at[pl.ds(base, _BPW)], idx_v)

    bufs1 = (b1a, b1b)
    bufs2 = (b2a, b2b)
    gsems = (sga, sgb)
    wsems = (swa, swb)
    writes = [None, None]
    for ci in range(_NCH):
        bi = ci % 2
        if writes[bi] is not None:
            for w in writes[bi]:
                w.wait()
        idx_c = idx_v.at[pl.ds(ci * _CH, _CH)]
        c1 = pltpu.async_copy(x_hbm.at[idx_c], bufs1[bi], gsems[bi])
        c2 = pltpu.async_copy(toh_hbm.at[idx_c], bufs2[bi], gsems[bi])
        c1.wait()
        c2.wait()
        dst = pl.ds(base + ci * _CH, _CH)
        w1 = pltpu.async_copy(bufs1[bi], g1_hbm.at[dst], wsems[bi])
        w2 = pltpu.async_copy(bufs2[bi], g2_hbm.at[dst], wsems[bi])
        writes[bi] = (w1, w2)
    for ws in writes:
        if ws is not None:
            for w in ws:
                w.wait()


def _sc_gather(x_batch, toh, sidx):
    mesh = plsc.VectorSubcoreMesh(core_axis_name="c", subcore_axis_name="s",
                                  num_cores=_NC, num_subcores=_NS)
    f = pl.kernel(
        _sc_gather_body,
        out_type=[
            jax.ShapeDtypeStruct((B, XD), jnp.float32),
            jax.ShapeDtypeStruct((B, YD + NK), jnp.float32),
        ],
        mesh=mesh,
        scratch_types=[
            pltpu.VMEM((_BPW,), jnp.int32),
            pltpu.VMEM((_CH, XD), jnp.float32),
            pltpu.VMEM((_CH, XD), jnp.float32),
            pltpu.VMEM((_CH, YD + NK), jnp.float32),
            pltpu.VMEM((_CH, YD + NK), jnp.float32),
            pltpu.SemaphoreType.DMA,
            pltpu.SemaphoreType.DMA,
            pltpu.SemaphoreType.DMA,
            pltpu.SemaphoreType.DMA,
        ],
    )
    return f(x_batch, toh, sidx)


def _compute_labels(y_batch, centers):
    return pl.pallas_call(
        _labels_body,
        grid=(NB,),
        in_specs=[
            pl.BlockSpec((TB, YD), lambda i: (i, 0)),
            pl.BlockSpec((NK, YD), lambda i: (0, 0)),
        ],
        out_specs=[
            pl.BlockSpec((TB, NK), lambda i: (i, 0)),
            pl.BlockSpec((TB, YD + NK), lambda i: (i, 0)),
        ],
        out_shape=[
            jax.ShapeDtypeStruct((B, NK), jnp.int32),
            jax.ShapeDtypeStruct((B, YD + NK), jnp.float32),
        ],
    )(y_batch, centers)


def _fused_loss(plo, pcnt, g1, w1x, b1, w2, b2, w3l, b3l, w3rp, b3rp, g2):
    grid_spec = pltpu.PrefetchScalarGridSpec(
        num_scalar_prefetch=2,
        grid=(NF,),
        in_specs=[
            pl.BlockSpec((TF, XD), lambda i, plo, pcnt: (i, 0)),
            pl.BlockSpec((XD, HID), lambda i, plo, pcnt: (0, 0)),
            pl.BlockSpec((1, HID), lambda i, plo, pcnt: (0, 0)),
            pl.BlockSpec((HID, HID), lambda i, plo, pcnt: (0, 0)),
            pl.BlockSpec((1, HID), lambda i, plo, pcnt: (0, 0)),
            pl.BlockSpec((HID, NK), lambda i, plo, pcnt: (0, 0)),
            pl.BlockSpec((1, NK), lambda i, plo, pcnt: (0, 0)),
            pl.BlockSpec((HID, NP * 2 * YD), lambda i, plo, pcnt: (0, 0)),
            pl.BlockSpec((1, NP * 2 * YD), lambda i, plo, pcnt: (0, 0)),
            pl.BlockSpec((TF, YD + NK), lambda i, plo, pcnt: (i, 0)),
        ],
        out_specs=pl.BlockSpec((1, 2), lambda i, plo, pcnt: (0, 0)),
    )
    return pl.pallas_call(
        _fused_body,
        grid_spec=grid_spec,
        out_shape=jax.ShapeDtypeStruct((1, 2), jnp.float32),
    )(plo, pcnt, g1, w1x, b1, w2, b2, w3l, b3l, w3rp, b3rp, g2)


def kernel(x_batch, y_batch, W1, b1, W2, b2, W3, b3, centers):
    lab_full, toh = _compute_labels(y_batch, centers)
    labels = lab_full[:, 0]

    packed = jnp.sort((labels << 14) | jnp.arange(B, dtype=jnp.int32))
    sidx = packed & (B - 1)
    slab = packed >> 14
    blk = slab.reshape(NF, TF)
    plo = (blk[:, 0] // 2).astype(jnp.int32)
    pcnt = (blk[:, -1] // 2 - blk[:, 0] // 2 + 1).astype(jnp.int32)

    g1, g2 = _sc_gather(x_batch, toh, sidx)

    w1x = W1[YD:YD + XD, :].astype(jnp.bfloat16)
    w2 = W2.astype(jnp.bfloat16)
    w3l = W3[:, :NK].astype(jnp.bfloat16)
    w3rp = W3[:, NK:].astype(jnp.bfloat16)
    b3rp = b3[NK:].reshape(1, NP * 2 * YD)
    acc = _fused_loss(plo, pcnt, g1, w1x, b1.reshape(1, HID), w2,
                      b2.reshape(1, HID), w3l, b3[:NK].reshape(1, NK),
                      w3rp, b3rp, g2)

    return acc[0, 0] / B + 100.0 * acc[0, 1] / (B * YD)

# --- scband reference (transcript-rebuilt; emitter-appended) ---
"""Pipeline reference for scband-model-cond-be-t-26061861552752 (READ-ONLY COPY).

The authoritative reference and input builder live on the scoring server;
editing this copy changes nothing except your own understanding.
"""

import jax, jax.numpy as jnp
import numpy as np

B = 16384
X_DIM = 512
Y_DIM = 64
N_K = 64
HID = 2048
OUT_DIM = N_K + N_K * Y_DIM


def setup_inputs(seed: int = 0) -> dict:
    key = jax.random.key(seed)
    ks = jax.random.split(key, 8)
    x_batch = jax.random.normal(ks[0], (B, X_DIM), dtype=jnp.float32)
    y_batch = jax.random.normal(ks[1], (B, Y_DIM), dtype=jnp.float32)
    in_dim = Y_DIM + X_DIM + 1 + 1  # concat(y_t, x, _ts, context_mask)
    W1 = jax.random.normal(ks[2], (in_dim, HID), dtype=jnp.float32) * (1.0 / np.sqrt(in_dim))
    b1 = jnp.zeros((HID,), dtype=jnp.float32)
    W2 = jax.random.normal(ks[3], (HID, HID), dtype=jnp.float32) * (1.0 / np.sqrt(HID))
    b2 = jnp.zeros((HID,), dtype=jnp.float32)
    W3 = jax.random.normal(ks[4], (HID, OUT_DIM), dtype=jnp.float32) * (1.0 / np.sqrt(HID))
    b3 = jnp.zeros((OUT_DIM,), dtype=jnp.float32)
    centers = jax.random.normal(ks[5], (N_K, Y_DIM), dtype=jnp.float32)  # kmeans cluster_centers_
    return {"x_batch": x_batch, "y_batch": y_batch, "W1": W1, "b1": b1,
            "W2": W2, "b2": b2, "W3": W3, "b3": b3, "centers": centers}


def _nn_model(y_t, x_batch, _ts, context_mask, W1, b1, W2, b2, W3, b3):
    inp = jnp.concatenate([y_t, x_batch, _ts, context_mask[:, None]], axis=1)
    h = jax.nn.relu(inp @ W1 + b1)
    h = jax.nn.relu(h @ W2 + b2)
    return h @ W3 + b3


def reference(x_batch, y_batch, W1, b1, W2, b2, W3, b3, centers):
    # Model_Cond_BeT.loss_on_batch
    _ts = jnp.zeros((y_batch.shape[0], 1), dtype=jnp.float32)
    context_mask = jnp.zeros((x_batch.shape[0],), dtype=jnp.float32)
    y_t = y_batch * 0.0
    y_pred = _nn_model(y_t, x_batch, _ts, context_mask, W1, b1, W2, b2, W3, b3)
    y_pred_label = y_pred[:, :N_K]
    # kmeans_model.predict: nearest cluster center (squared euclidean)
    d2 = (jnp.sum(y_batch * y_batch, axis=1, keepdims=True)
          - 2.0 * (y_batch @ centers.T)
          + jnp.sum(centers * centers, axis=1)[None, :])
    y_true_label = jnp.argmin(d2, axis=1)
    # residual head: index_select(1, label) + diagonal == per-row gather
    y_pred_residual_all = y_pred[:, N_K:].reshape(y_pred.shape[0], N_K, Y_DIM)
    y_pred_residual = jnp.take_along_axis(
        y_pred_residual_all, y_true_label[:, None, None], axis=1)[:, 0, :]
    y_true_label_center = jnp.take(centers, y_true_label, axis=0)
    y_true_residual = y_batch - y_true_label_center
    # nn.CrossEntropyLoss (mean) + 100 * nn.MSELoss (mean)
    logp = jax.nn.log_softmax(y_pred_label, axis=-1)
    ce = -jnp.mean(jnp.take_along_axis(logp, y_true_label[:, None], axis=1))
    mse = jnp.mean((y_true_residual - y_pred_residual) ** 2)
    return ce + 100.0 * mse

if __name__ == "__main__":
    import jax
    _d = setup_inputs()
    print(jax.jit(kernel)(*tuple(_d.values())))

</pallas_src>

<mosaic_0001>
#map = affine_map<(d0, d1) -> (0, 0)>
#map1 = affine_map<(d0, d1) -> (0)>
module attributes {stable_mosaic.version = 14 : i64} {
  func.func @_sc_gather_body(%arg0: i32, %arg1: i32, %arg2: memref<16384x512xf32, #tpu.memory_space<hbm>>, %arg3: memref<16384x128xf32, #tpu.memory_space<hbm>>, %arg4: memref<16384xi32, #tpu.memory_space<hbm>>, %arg5: memref<16384x512xf32, #tpu.memory_space<hbm>>, %arg6: memref<16384x128xf32, #tpu.memory_space<hbm>>, %arg7: memref<512xi32, #tpu.memory_space<vmem>>, %arg8: memref<64x512xf32, #tpu.memory_space<vmem>>, %arg9: memref<64x512xf32, #tpu.memory_space<vmem>>, %arg10: memref<64x128xf32, #tpu.memory_space<vmem>>, %arg11: memref<64x128xf32, #tpu.memory_space<vmem>>, %arg12: memref<!tpu.dma_semaphore, #tpu.memory_space<semaphore_mem>>, %arg13: memref<!tpu.dma_semaphore, #tpu.memory_space<semaphore_mem>>, %arg14: memref<!tpu.dma_semaphore, #tpu.memory_space<semaphore_mem>>, %arg15: memref<!tpu.dma_semaphore, #tpu.memory_space<semaphore_mem>>) attributes {dimension_semantics = [#tpu.dimension_semantics<core_parallel>, #tpu.dimension_semantics<subcore_parallel>], iteration_bounds = array<i64: 2, 16>, scalar_prefetch = 0 : i64, scratch_operands = 9 : i64, tpu.core_type = #tpu.core_type<sc_vector_subcore>, window_params = [{transform_indices = #map}, {transform_indices = #map}, {transform_indices = #map1}, {transform_indices = #map}, {transform_indices = #map}]} {
    %mul3A = arith.constant 2 : i32
    %mul3A_0 = arith.muli %arg1, %mul3A : i32
    %add3A = arith.addi %mul3A_0, %arg0 : i32
    %mul3A_1 = arith.constant 512 : i32
    %mul3A_2 = arith.muli %add3A, %mul3A_1 : i32
    "tpu.region"() ({
      %run_scoped3A = tpu.sem_alloc : memref<!tpu.dma_semaphore, #tpu.memory_space<semaphore_mem>>
      %dma_start3A_305 = tpu.memref_slice %arg4[%mul3A_2] : memref<16384xi32, #tpu.memory_space<hbm>> -> memref<512xi32, #tpu.memory_space<hbm>>
      %dma_start3A_306 = tpu.memref_slice %arg4[%mul3A_2] : memref<16384xi32, #tpu.memory_space<hbm>> -> memref<512xi32, #tpu.memory_space<hbm>>
      tpu.enqueue_dma source(%dma_start3A_306 : memref<512xi32, #tpu.memory_space<hbm>>) target(%arg7 : memref<512xi32, #tpu.memory_space<vmem>>) target_semaphore(%run_scoped3A : memref<!tpu.dma_semaphore, #tpu.memory_space<semaphore_mem>>)
      %dma_wait3A_307 = tpu.memref_slice %arg4[%mul3A_2] : memref<16384xi32, #tpu.memory_space<hbm>> -> memref<512xi32, #tpu.memory_space<hbm>>
      %dma_wait3A_308 = tpu.memref_slice %arg4[%mul3A_2] : memref<16384xi32, #tpu.memory_space<hbm>> -> memref<512xi32, #tpu.memory_space<hbm>>
      tpu.wait_dma2 semaphore(%run_scoped3A : memref<!tpu.dma_semaphore, #tpu.memory_space<semaphore_mem>>) src(%dma_wait3A_308 : memref<512xi32, #tpu.memory_space<hbm>>) dst(%arg7 : memref<512xi32, #tpu.memory_space<vmem>>)
      tpu.yield
    }) : () -> ()
    %dma_start3A = arith.constant 0 : i32
    %dma_start3A_3 = tpu.memref_slice %arg7[%dma_start3A] : memref<512xi32, #tpu.memory_space<vmem>> -> memref<64xi32, #tpu.memory_space<vmem>>
    %dma_start3A_4 = arith.constant 0 : i32
    %dma_start3A_5 = arith.constant 0 : i32
    %dma_start3A_6 = tpu.memref_slice %arg2[%dma_start3A_4, %dma_start3A_5] : memref<16384x512xf32, #tpu.memory_space<hbm>> -> memref<16384x512xf32, #tpu.memory_space<hbm>>
    tpu.enqueue_indirect_dma source(%dma_start3A_6 : memref<16384x512xf32, #tpu.memory_space<hbm>>) target(%arg8 : memref<64x512xf32, #tpu.memory_space<vmem>>) offsets(%dma_start3A_3 : memref<64xi32, #tpu.memory_space<vmem>>) semaphore(%arg12 : memref<!tpu.dma_semaphore, #tpu.memory_space<semaphore_mem>>)
    %dma_start3A_7 = arith.constant 0 : i32
    %dma_start3A_8 = tpu.memref_slice %arg7[%dma_start3A_7] : memref<512xi32, #tpu.memory_space<vmem>> -> memref<64xi32, #tpu.memory_space<vmem>>
    %dma_start3A_9 = arith.constant 0 : i32
    %dma_start3A_10 = arith.constant 0 : i32
    %dma_start3A_11 = tpu.memref_slice %arg3[%dma_start3A_9, %dma_start3A_10] : memref<16384x128xf32, #tpu.memory_space<hbm>> -> memref<16384x128xf32, #tpu.memory_space<hbm>>
    tpu.enqueue_indirect_dma source(%dma_start3A_11 : memref<16384x128xf32, #tpu.memory_space<hbm>>) target(%arg10 : memref<64x128xf32, #tpu.memory_space<vmem>>) offsets(%dma_start3A_8 : memref<64xi32, #tpu.memory_space<vmem>>) semaphore(%arg12 : memref<!tpu.dma_semaphore, #tpu.memory_space<semaphore_mem>>)
    %dma_wait3A = arith.constant 0 : i32
    %dma_wait3A_12 = tpu.memref_slice %arg7[%dma_wait3A] : memref<512xi32, #tpu.memory_space<vmem>> -> memref<64xi32, #tpu.memory_space<vmem>>
    %dma_wait3A_13 = arith.constant 0 : i32
    %dma_wait3A_14 = arith.constant 0 : i32
    %dma_wait3A_15 = tpu.memref_slice %arg2[%dma_wait3A_13, %dma_wait3A_14] : memref<16384x512xf32, #tpu.memory_space<hbm>> -> memref<16384x512xf32, #tpu.memory_space<hbm>>
    tpu.wait_indirect_dma semaphore(%arg12 : memref<!tpu.dma_semaphore, #tpu.memory_space<semaphore_mem>>) src(%dma_wait3A_15 : memref<16384x512xf32, #tpu.memory_space<hbm>>) dst(%arg8 : memref<64x512xf32, #tpu.memory_space<vmem>>)
    %dma_wait3A_16 = arith.constant 0 : i32
    %dma_wait3A_17 = tpu.memref_slice %arg7[%dma_wait3A_16] : memref<512xi32, #tpu.memory_space<vmem>> -> memref<64xi32, #tpu.memory_space<vmem>>
    %dma_wait3A_18 = arith.constant 0 : i32
    %dma_wait3A_19 = arith.constant 0 : i32
    %dma_wait3A_20 = tpu.memref_slice %arg3[%dma_wait3A_18, %dma_wait3A_19] : memref<16384x128xf32, #tpu.memory_space<hbm>> -> memref<16384x128xf32, #tpu.memory_space<hbm>>
    tpu.wait_indirect_dma semaphore(%arg12 : memref<!tpu.dma_semaphore, #tpu.memory_space<semaphore_mem>>) src(%dma_wait3A_20 : memref<16384x128xf32, #tpu.memory_space<hbm>>) dst(%arg10 : memref<64x128xf32, #tpu.memory_space<vmem>>)
    %add3A_21 = arith.constant 0 : i32
    %add3A_22 = arith.addi %mul3A_2, %add3A_21 : i32
    %dma_start3A_23 = arith.constant 0 : i32
    %dma_start3A_24 = tpu.memref_slice %arg5[%add3A_22, %dma_start3A_23] : memref<16384x512xf32, #tpu.memory_space<hbm>> -> memref<64x512xf32, #tpu.memory_space<hbm>>
    %dma_start3A_25 = arith.constant 0 : i32
    %dma_start3A_26 = tpu.memref_slice %arg5[%add3A_22, %dma_start3A_25] : memref<16384x512xf32, #tpu.memory_space<hbm>> -> memref<64x512xf32, #tpu.memory_space<hbm>>
    tpu.enqueue_dma source(%arg8 : memref<64x512xf32, #tpu.memory_space<vmem>>) target(%dma_start3A_26 : memref<64x512xf32, #tpu.memory_space<hbm>>) target_semaphore(%arg14 : memref<!tpu.dma_semaphore, #tpu.memory_space<semaphore_mem>>)
    %dma_start3A_27 = arith.constant 0 : i32
    %dma_start3A_28 = tpu.memref_slice %arg6[%add3A_22, %dma_start3A_27] : memref<16384x128xf32, #tpu.memory_space<hbm>> -> memref<64x128xf32, #tpu.memory_space<hbm>>
    %dma_start3A_29 = arith.constant 0 : i32
    %dma_start3A_30 = tpu.memref_slice %arg6[%add3A_22, %dma_start3A_29] : memref<16384x128xf32, #tpu.memory_space<hbm>> -> memref<64x128xf32, #tpu.memory_space<hbm>>
    tpu.enqueue_dma source(%arg10 : memref<64x128xf32, #tpu.memory_space<vmem>>) target(%dma_start3A_30 : memref<64x128xf32, #tpu.memory_space<hbm>>) target_semaphore(%arg14 : memref<!tpu.dma_semaphore, #tpu.memory_space<semaphore_mem>>)
    %dma_start3A_31 = arith.constant 64 : i32
    %dma_start3A_32 = tpu.memref_slice %arg7[%dma_start3A_31] : memref<512xi32, #tpu.memory_space<vmem>> -> memref<64xi32, #tpu.memory_space<vmem>>
    %dma_start3A_33 = arith.constant 0 : i32
    %dma_start3A_34 = arith.constant 0 : i32
    %dma_start3A_35 = tpu.memref_slice %arg2[%dma_start3A_33, %dma_start3A_34] : memref<16384x512xf32, #tpu.memory_space<hbm>> -> memref<16384x512xf32, #tpu.memory_space<hbm>>
    tpu.enqueue_indirect_dma source(%dma_start3A_35 : memref<16384x512xf32, #tpu.memory_space<hbm>>) target(%arg9 : memref<64x512xf32, #tpu.memory_space<vmem>>) offsets(%dma_start3A_32 : memref<64xi32, #tpu.memory_space<vmem>>) semaphore(%arg13 : memref<!tpu.dma_semaphore, #tpu.memory_space<semaphore_mem>>)
    %dma_start3A_36 = arith.constant 64 : i32
    %dma_start3A_37 = tpu.memref_slice %arg7[%dma_start3A_36] : memref<512xi32, #tpu.memory_space<vmem>> -> memref<64xi32, #tpu.memory_space<vmem>>
    %dma_start3A_38 = arith.constant 0 : i32
    %dma_start3A_39 = arith.constant 0 : i32
    %dma_start3A_40 = tpu.memref_slice %arg3[%dma_start3A_38, %dma_start3A_39] : memref<16384x128xf32, #tpu.memory_space<hbm>> -> memref<16384x128xf32, #tpu.memory_space<hbm>>
    tpu.enqueue_indirect_dma source(%dma_start3A_40 : memref<16384x128xf32, #tpu.memory_space<hbm>>) target(%arg11 : memref<64x128xf32, #tpu.memory_space<vmem>>) offsets(%dma_start3A_37 : memref<64xi32, #tpu.memory_space<vmem>>) semaphore(%arg13 : memref<!tpu.dma_semaphore, #tpu.memory_space<semaphore_mem>>)
    %dma_wait3A_41 = arith.constant 64 : i32
    %dma_wait3A_42 = tpu.memref_slice %arg7[%dma_wait3A_41] : memref<512xi32, #tpu.memory_space<vmem>> -> memref<64xi32, #tpu.memory_space<vmem>>
    %dma_wait3A_43 = arith.constant 0 : i32
    %dma_wait3A_44 = arith.constant 0 : i32
    %dma_wait3A_45 = tpu.memref_slice %arg2[%dma_wait3A_43, %dma_wait3A_44] : memref<16384x512xf32, #tpu.memory_space<hbm>> -> memref<16384x512xf32, #tpu.memory_space<hbm>>
    tpu.wait_indirect_dma semaphore(%arg13 : memref<!tpu.dma_semaphore, #tpu.memory_space<semaphore_mem>>) src(%dma_wait3A_45 : memref<16384x512xf32, #tpu.memory_space<hbm>>) dst(%arg9 : memref<64x512xf32, #tpu.memory_space<vmem>>)
    %dma_wait3A_46 = arith.constant 64 : i32
    %dma_wait3A_47 = tpu.memref_slice %arg7[%dma_wait3A_46] : memref<512xi32, #tpu.memory_space<vmem>> -> memref<64xi32, #tpu.memory_space<vmem>>
    %dma_wait3A_48 = arith.constant 0 : i32
    %dma_wait3A_49 = arith.constant 0 : i32
    %dma_wait3A_50 = tpu.memref_slice %arg3[%dma_wait3A_48, %dma_wait3A_49] : memref<16384x128xf32, #tpu.memory_space<hbm>> -> memref<16384x128xf32, #tpu.memory_space<hbm>>
    tpu.wait_indirect_dma semaphore(%arg13 : memref<!tpu.dma_semaphore, #tpu.memory_space<semaphore_mem>>) src(%dma_wait3A_50 : memref<16384x128xf32, #tpu.memory_space<hbm>>) dst(%arg11 : memref<64x128xf32, #tpu.memory_space<vmem>>)
    %add3A_51 = arith.constant 64 : i32
    %add3A_52 = arith.addi %mul3A_2, %add3A_51 : i32
    %dma_start3A_53 = arith.constant 0 : i32
    %dma_start3A_54 = tpu.memref_slice %arg5[%add3A_52, %dma_start3A_53] : memref<16384x512xf32, #tpu.memory_space<hbm>> -> memref<64x512xf32, #tpu.memory_space<hbm>>
    %dma_start3A_55 = arith.constant 0 : i32
    %dma_start3A_56 = tpu.memref_slice %arg5[%add3A_52, %dma_start3A_55] : memref<16384x512xf32, #tpu.memory_space<hbm>> -> memref<64x512xf32, #tpu.memory_space<hbm>>
    tpu.enqueue_dma source(%arg9 : memref<64x512xf32, #tpu.memory_space<vmem>>) target(%dma_start3A_56 : memref<64x512xf32, #tpu.memory_space<hbm>>) target_semaphore(%arg15 : memref<!tpu.dma_semaphore, #tpu.memory_space<semaphore_mem>>)
    %dma_start3A_57 = arith.constant 0 : i32
    %dma_start3A_58 = tpu.memref_slice %arg6[%add3A_52, %dma_start3A_57] : memref<16384x128xf32, #tpu.memory_space<hbm>> -> memref<64x128xf32, #tpu.memory_space<hbm>>
    %dma_start3A_59 = arith.constant 0 : i32
    %dma_start3A_60 = tpu.memref_slice %arg6[%add3A_52, %dma_start3A_59] : memref<16384x128xf32, #tpu.memory_space<hbm>> -> memref<64x128xf32, #tpu.memory_space<hbm>>
    tpu.enqueue_dma source(%arg11 : memref<64x128xf32, #tpu.memory_space<vmem>>) target(%dma_start3A_60 : memref<64x128xf32, #tpu.memory_space<hbm>>) target_semaphore(%arg15 : memref<!tpu.dma_semaphore, #tpu.memory_space<semaphore_mem>>)
    %dma_wait3A_61 = arith.constant 0 : i32
    %dma_wait3A_62 = tpu.memref_slice %arg5[%add3A_22, %dma_wait3A_61] : memref<16384x512xf32, #tpu.memory_space<hbm>> -> memref<64x512xf32, #tpu.memory_space<hbm>>
    %dma_wait3A_63 = arith.constant 0 : i32
    %dma_wait3A_64 = tpu.memref_slice %arg5[%add3A_22, %dma_wait3A_63] : memref<16384x512xf32, #tpu.memory_space<hbm>> -> memref<64x512xf32, #tpu.memory_space<hbm>>
    tpu.wait_dma2 semaphore(%arg14 : memref<!tpu.dma_semaphore, #tpu.memory_space<semaphore_mem>>) src(%arg8 : memref<64x512xf32, #tpu.memory_space<vmem>>) dst(%dma_wait3A_64 : memref<64x512xf32, #tpu.memory_space<hbm>>)
    %dma_wait3A_65 = arith.constant 0 : i32
    %dma_wait3A_66 = tpu.memref_slice %arg6[%add3A_22, %dma_wait3A_65] : memref<16384x128xf32, #tpu.memory_space<hbm>> -> memref<64x128xf32, #tpu.memory_space<hbm>>
    %dma_wait3A_67 = arith.constant 0 : i32
    %dma_wait3A_68 = tpu.memref_slice %arg6[%add3A_22, %dma_wait3A_67] : memref<16384x128xf32, #tpu.memory_space<hbm>> -> memref<64x128xf32, #tpu.memory_space<hbm>>
    tpu.wait_dma2 semaphore(%arg14 : memref<!tpu.dma_semaphore, #tpu.memory_space<semaphore_mem>>) src(%arg10 : memref<64x128xf32, #tpu.memory_space<vmem>>) dst(%dma_wait3A_68 : memref<64x128xf32, #tpu.memory_space<hbm>>)
    %dma_start3A_69 = arith.constant 128 : i32
    %dma_start3A_70 = tpu.memref_slice %arg7[%dma_start3A_69] : memref<512xi32, #tpu.memory_space<vmem>> -> memref<64xi32, #tpu.memory_space<vmem>>
    %dma_start3A_71 = arith.constant 0 : i32
    %dma_start3A_72 = arith.constant 0 : i32
    %dma_start3A_73 = tpu.memref_slice %arg2[%dma_start3A_71, %dma_start3A_72] : memref<16384x512xf32, #tpu.memory_space<hbm>> -> memref<16384x512xf32, #tpu.memory_space<hbm>>
    tpu.enqueue_indirect_dma source(%dma_start3A_73 : memref<16384x512xf32, #tpu.memory_space<hbm>>) target(%arg8 : memref<64x512xf32, #tpu.memory_space<vmem>>) offsets(%dma_start3A_70 : memref<64xi32, #tpu.memory_space<vmem>>) semaphore(%arg12 : memref<!tpu.dma_semaphore, #tpu.memory_space<semaphore_mem>>)
    %dma_start3A_74 = arith.constant 128 : i32
    %dma_start3A_75 = tpu.memref_slice %arg7[%dma_start3A_74] : memref<512xi32, #tpu.memory_space<vmem>> -> memref<64xi32, #tpu.memory_space<vmem>>
    %dma_start3A_76 = arith.constant 0 : i32
    %dma_start3A_77 = arith.constant 0 : i32
    %dma_start3A_78 = tpu.memref_slice %arg3[%dma_start3A_76, %dma_start3A_77] : memref<16384x128xf32, #tpu.memory_space<hbm>> -> memref<16384x128xf32, #tpu.memory_space<hbm>>
    tpu.enqueue_indirect_dma source(%dma_start3A_78 : memref<16384x128xf32, #tpu.memory_space<hbm>>) target(%arg10 : memref<64x128xf32, #tpu.memory_space<vmem>>) offsets(%dma_start3A_75 : memref<64xi32, #tpu.memory_space<vmem>>) semaphore(%arg12 : memref<!tpu.dma_semaphore, #tpu.memory_space<semaphore_mem>>)
    %dma_wait3A_79 = arith.constant 128 : i32
    %dma_wait3A_80 = tpu.memref_slice %arg7[%dma_wait3A_79] : memref<512xi32, #tpu.memory_space<vmem>> -> memref<64xi32, #tpu.memory_space<vmem>>
    %dma_wait3A_81 = arith.constant 0 : i32
    %dma_wait3A_82 = arith.constant 0 : i32
    %dma_wait3A_83 = tpu.memref_slice %arg2[%dma_wait3A_81, %dma_wait3A_82] : memref<16384x512xf32, #tpu.memory_space<hbm>> -> memref<16384x512xf32, #tpu.memory_space<hbm>>
    tpu.wait_indirect_dma semaphore(%arg12 : memref<!tpu.dma_semaphore, #tpu.memory_space<semaphore_mem>>) src(%dma_wait3A_83 : memref<16384x512xf32, #tpu.memory_space<hbm>>) dst(%arg8 : memref<64x512xf32, #tpu.memory_space<vmem>>)
    %dma_wait3A_84 = arith.constant 128 : i32
    %dma_wait3A_85 = tpu.memref_slice %arg7[%dma_wait3A_84] : memref<512xi32, #tpu.memory_space<vmem>> -> memref<64xi32, #tpu.memory_space<vmem>>
    %dma_wait3A_86 = arith.constant 0 : i32
    %dma_wait3A_87 = arith.constant 0 : i32
    %dma_wait3A_88 = tpu.memref_slice %arg3[%dma_wait3A_86, %dma_wait3A_87] : memref<16384x128xf32, #tpu.memory_space<hbm>> -> memref<16384x128xf32, #tpu.memory_space<hbm>>
    tpu.wait_indirect_dma semaphore(%arg12 : memref<!tpu.dma_semaphore, #tpu.memory_space<semaphore_mem>>) src(%dma_wait3A_88 : memref<16384x128xf32, #tpu.memory_space<hbm>>) dst(%arg10 : memref<64x128xf32, #tpu.memory_space<vmem>>)
    %add3A_89 = arith.constant 128 : i32
    %add3A_90 = arith.addi %mul3A_2, %add3A_89 : i32
    %dma_start3A_91 = arith.constant 0 : i32
    %dma_start3A_92 = tpu.memref_slice %arg5[%add3A_90, %dma_start3A_91] : memref<16384x512xf32, #tpu.memory_space<hbm>> -> memref<64x512xf32, #tpu.memory_space<hbm>>
    %dma_start3A_93 = arith.constant 0 : i32
    %dma_start3A_94 = tpu.memref_slice %arg5[%add3A_90, %dma_start3A_93] : memref<16384x512xf32, #tpu.memory_space<hbm>> -> memref<64x512xf32, #tpu.memory_space<hbm>>
    tpu.enqueue_dma source(%arg8 : memref<64x512xf32, #tpu.memory_space<vmem>>) target(%dma_start3A_94 : memref<64x512xf32, #tpu.memory_space<hbm>>) target_semaphore(%arg14 : memref<!tpu.dma_semaphore, #tpu.memory_space<semaphore_mem>>)
    %dma_start3A_95 = arith.constant 0 : i32
    %dma_start3A_96 = tpu.memref_slice %arg6[%add3A_90, %dma_start3A_95] : memref<16384x128xf32, #tpu.memory_space<hbm>> -> memref<64x128xf32, #tpu.memory_space<hbm>>
    %dma_start3A_97 = arith.constant 0 : i32
    %dma_start3A_98 = tpu.memref_slice %arg6[%add3A_90, %dma_start3A_97] : memref<16384x128xf32, #tpu.memory_space<hbm>> -> memref<64x128xf32, #tpu.memory_space<hbm>>
    tpu.enqueue_dma source(%arg10 : memref<64x128xf32, #tpu.memory_space<vmem>>) target(%dma_start3A_98 : memref<64x128xf32, #tpu.memory_space<hbm>>) target_semaphore(%arg14 : memref<!tpu.dma_semaphore, #tpu.memory_space<semaphore_mem>>)
    %dma_wait3A_99 = arith.constant 0 : i32
    %dma_wait3A_100 = tpu.memref_slice %arg5[%add3A_52, %dma_wait3A_99] : memref<16384x512xf32, #tpu.memory_space<hbm>> -> memref<64x512xf32, #tpu.memory_space<hbm>>
    %dma_wait3A_101 = arith.constant 0 : i32
    %dma_wait3A_102 = tpu.memref_slice %arg5[%add3A_52, %dma_wait3A_101] : memref<16384x512xf32, #tpu.memory_space<hbm>> -> memref<64x512xf32, #tpu.memory_space<hbm>>
    tpu.wait_dma2 semaphore(%arg15 : memref<!tpu.dma_semaphore, #tpu.memory_space<semaphore_mem>>) src(%arg9 : memref<64x512xf32, #tpu.memory_space<vmem>>) dst(%dma_wait3A_102 : memref<64x512xf32, #tpu.memory_space<hbm>>)
    %dma_wait3A_103 = arith.constant 0 : i32
    %dma_wait3A_104 = tpu.memref_slice %arg6[%add3A_52, %dma_wait3A_103] : memref<16384x128xf32, #tpu.memory_space<hbm>> -> memref<64x128xf32, #tpu.memory_space<hbm>>
    %dma_wait3A_105 = arith.constant 0 : i32
    %dma_wait3A_106 = tpu.memref_slice %arg6[%add3A_52, %dma_wait3A_105] : memref<16384x128xf32, #tpu.memory_space<hbm>> -> memref<64x128xf32, #tpu.memory_space<hbm>>
    tpu.wait_dma2 semaphore(%arg15 : memref<!tpu.dma_semaphore, #tpu.memory_space<semaphore_mem>>) src(%arg11 : memref<64x128xf32, #tpu.memory_space<vmem>>) dst(%dma_wait3A_106 : memref<64x128xf32, #tpu.memory_space<hbm>>)
    %dma_start3A_107 = arith.constant 192 : i32
    %dma_start3A_108 = tpu.memref_slice %arg7[%dma_start3A_107] : memref<512xi32, #tpu.memory_space<vmem>> -> memref<64xi32, #tpu.memory_space<vmem>>
    %dma_start3A_109 = arith.constant 0 : i32
    %dma_start3A_110 = arith.constant 0 : i32
    %dma_start3A_111 = tpu.memref_slice %arg2[%dma_start3A_109, %dma_start3A_110] : memref<16384x512xf32, #tpu.memory_space<hbm>> -> memref<16384x512xf32, #tpu.memory_space<hbm>>
    tpu.enqueue_indirect_dma source(%dma_start3A_111 : memref<16384x512xf32, #tpu.memory_space<hbm>>) target(%arg9 : memref<64x512xf32, #tpu.memory_space<vmem>>) offsets(%dma_start3A_108 : memref<64xi32, #tpu.memory_space<vmem>>) semaphore(%arg13 : memref<!tpu.dma_semaphore, #tpu.memory_space<semaphore_mem>>)
    %dma_start3A_112 = arith.constant 192 : i32
    %dma_start3A_113 = tpu.memref_slice %arg7[%dma_start3A_112] : memref<512xi32, #tpu.memory_space<vmem>> -> memref<64xi32, #tpu.memory_space<vmem>>
    %dma_start3A_114 = arith.constant 0 : i32
    %dma_start3A_115 = arith.constant 0 : i32
    %dma_start3A_116 = tpu.memref_slice %arg3[%dma_start3A_114, %dma_start3A_115] : memref<16384x128xf32, #tpu.memory_space<hbm>> -> memref<16384x128xf32, #tpu.memory_space<hbm>>
    tpu.enqueue_indirect_dma source(%dma_start3A_116 : memref<16384x128xf32, #tpu.memory_space<hbm>>) target(%arg11 : memref<64x128xf32, #tpu.memory_space<vmem>>) offsets(%dma_start3A_113 : memref<64xi32, #tpu.memory_space<vmem>>) semaphore(%arg13 : memref<!tpu.dma_semaphore, #tpu.memory_space<semaphore_mem>>)
    %dma_wait3A_117 = arith.constant 192 : i32
    %dma_wait3A_118 = tpu.memref_slice %arg7[%dma_wait3A_117] : memref<512xi32, #tpu.memory_space<vmem>> -> memref<64xi32, #tpu.memory_space<vmem>>
    %dma_wait3A_119 = arith.constant 0 : i32
    %dma_wait3A_120 = arith.constant 0 : i32
    %dma_wait3A_121 = tpu.memref_slice %arg2[%dma_wait3A_119, %dma_wait3A_120] : memref<16384x512xf32, #tpu.memory_space<hbm>> -> memref<16384x512xf32, #tpu.memory_space<hbm>>
    tpu.wait_indirect_dma semaphore(%arg13 : memref<!tpu.dma_semaphore, #tpu.memory_space<semaphore_mem>>) src(%dma_wait3A_121 : memref<16384x512xf32, #tpu.memory_space<hbm>>) dst(%arg9 : memref<64x512xf32, #tpu.memory_space<vmem>>)
    %dma_wait3A_122 = arith.constant 192 : i32
    %dma_wait3A_123 = tpu.memref_slice %arg7[%dma_wait3A_122] : memref<512xi32, #tpu.memory_space<vmem>> -> memref<64xi32, #tpu.memory_space<vmem>>
    %dma_wait3A_124 = arith.constant 0 : i32
    %dma_wait3A_125 = arith.constant 0 : i32
    %dma_wait3A_126 = tpu.memref_slice %arg3[%dma_wait3A_124, %dma_wait3A_125] : memref<16384x128xf32, #tpu.memory_space<hbm>> -> memref<16384x128xf32, #tpu.memory_space<hbm>>
    tpu.wait_indirect_dma semaphore(%arg13 : memref<!tpu.dma_semaphore, #tpu.memory_space<semaphore_mem>>) src(%dma_wait3A_126 : memref<16384x128xf32, #tpu.memory_space<hbm>>) dst(%arg11 : memref<64x128xf32, #tpu.memory_space<vmem>>)
    %add3A_127 = arith.constant 192 : i32
    %add3A_128 = arith.addi %mul3A_2, %add3A_127 : i32
    %dma_start3A_129 = arith.constant 0 : i32
    %dma_start3A_130 = tpu.memref_slice %arg5[%add3A_128, %dma_start3A_129] : memref<16384x512xf32, #tpu.memory_space<hbm>> -> memref<64x512xf32, #tpu.memory_space<hbm>>
    %dma_start3A_131 = arith.constant 0 : i32
    %dma_start3A_132 = tpu.memref_slice %arg5[%add3A_128, %dma_start3A_131] : memref<16384x512xf32, #tpu.memory_space<hbm>> -> memref<64x512xf32, #tpu.memory_space<hbm>>
    tpu.enqueue_dma source(%arg9 : memref<64x512xf32, #tpu.memory_space<vmem>>) target(%dma_start3A_132 : memref<64x512xf32, #tpu.memory_space<hbm>>) target_semaphore(%arg15 : memref<!tpu.dma_semaphore, #tpu.memory_space<semaphore_mem>>)
    %dma_start3A_133 = arith.constant 0 : i32
    %dma_start3A_134 = tpu.memref_slice %arg6[%add3A_128, %dma_start3A_133] : memref<16384x128xf32, #tpu.memory_space<hbm>> -> memref<64x128xf32, #tpu.memory_space<hbm>>
    %dma_start3A_135 = arith.constant 0 : i32
    %dma_start3A_136 = tpu.memref_slice %arg6[%add3A_128, %dma_start3A_135] : memref<16384x128xf32, #tpu.memory_space<hbm>> -> memref<64x128xf32, #tpu.memory_space<hbm>>
    tpu.enqueue_dma source(%arg11 : memref<64x128xf32, #tpu.memory_space<vmem>>) target(%dma_start3A_136 : memref<64x128xf32, #tpu.memory_space<hbm>>) target_semaphore(%arg15 : memref<!tpu.dma_semaphore, #tpu.memory_space<semaphore_mem>>)
    %dma_wait3A_137 = arith.constant 0 : i32
    %dma_wait3A_138 = tpu.memref_slice %arg5[%add3A_90, %dma_wait3A_137] : memref<16384x512xf32, #tpu.memory_space<hbm>> -> memref<64x512xf32, #tpu.memory_space<hbm>>
    %dma_wait3A_139 = arith.constant 0 : i32
    %dma_wait3A_140 = tpu.memref_slice %arg5[%add3A_90, %dma_wait3A_139] : memref<16384x512xf32, #tpu.memory_space<hbm>> -> memref<64x512xf32, #tpu.memory_space<hbm>>
    tpu.wait_dma2 semaphore(%arg14 : memref<!tpu.dma_semaphore, #tpu.memory_space<semaphore_mem>>) src(%arg8 : memref<64x512xf32, #tpu.memory_space<vmem>>) dst(%dma_wait3A_140 : memref<64x512xf32, #tpu.memory_space<hbm>>)
    %dma_wait3A_141 = arith.constant 0 : i32
    %dma_wait3A_142 = tpu.memref_slice %arg6[%add3A_90, %dma_wait3A_141] : memref<16384x128xf32, #tpu.memory_space<hbm>> -> memref<64x128xf32, #tpu.memory_space<hbm>>
    %dma_wait3A_143 = arith.constant 0 : i32
    %dma_wait3A_144 = tpu.memref_slice %arg6[%add3A_90, %dma_wait3A_143] : memref<16384x128xf32, #tpu.memory_space<hbm>> -> memref<64x128xf32, #tpu.memory_space<hbm>>
    tpu.wait_dma2 semaphore(%arg14 : memref<!tpu.dma_semaphore, #tpu.memory_space<semaphore_mem>>) src(%arg10 : memref<64x128xf32, #tpu.memory_space<vmem>>) dst(%dma_wait3A_144 : memref<64x128xf32, #tpu.memory_space<hbm>>)
    %dma_start3A_145 = arith.constant 256 : i32
    %dma_start3A_146 = tpu.memref_slice %arg7[%dma_start3A_145] : memref<512xi32, #tpu.memory_space<vmem>> -> memref<64xi32, #tpu.memory_space<vmem>>
    %dma_start3A_147 = arith.constant 0 : i32
    %dma_start3A_148 = arith.constant 0 : i32
    %dma_start3A_149 = tpu.memref_slice %arg2[%dma_start3A_147, %dma_start3A_148] : memref<16384x512xf32, #tpu.memory_space<hbm>> -> memref<16384x512xf32, #tpu.memory_space<hbm>>
    tpu.enqueue_indirect_dma source(%dma_start3A_149 : memref<16384x512xf32, #tpu.memory_space<hbm>>) target(%arg8 : memref<64x512xf32, #tpu.memory_space<vmem>>) offsets(%dma_start3A_146 : memref<64xi32, #tpu.memory_space<vmem>>) semaphore(%arg12 : memref<!tpu.dma_semaphore, #tpu.memory_space<semaphore_mem>>)
    %dma_start3A_150 = arith.constant 256 : i32
    %dma_start3A_151 = tpu.memref_slice %arg7[%dma_start3A_150] : memref<512xi32, #tpu.memory_space<vmem>> -> memref<64xi32, #tpu.memory_space<vmem>>
    %dma_start3A_152 = arith.constant 0 : i32
    %dma_start3A_153 = arith.constant 0 : i32
    %dma_start3A_154 = tpu.memref_slice %arg3[%dma_start3A_152, %dma_start3A_153] : memref<16384x128xf32, #tpu.memory_space<hbm>> -> memref<16384x128xf32, #tpu.memory_space<hbm>>
    tpu.enqueue_indirect_dma source(%dma_start3A_154 : memref<16384x128xf32, #tpu.memory_space<hbm>>) target(%arg10 : memref<64x128xf32, #tpu.memory_space<vmem>>) offsets(%dma_start3A_151 : memref<64xi32, #tpu.memory_space<vmem>>) semaphore(%arg12 : memref<!tpu.dma_semaphore, #tpu.memory_space<semaphore_mem>>)
    %dma_wait3A_155 = arith.constant 256 : i32
    %dma_wait3A_156 = tpu.memref_slice %arg7[%dma_wait3A_155] : memref<512xi32, #tpu.memory_space<vmem>> -> memref<64xi32, #tpu.memory_space<vmem>>
    %dma_wait3A_157 = arith.constant 0 : i32
    %dma_wait3A_158 = arith.constant 0 : i32
    %dma_wait3A_159 = tpu.memref_slice %arg2[%dma_wait3A_157, %dma_wait3A_158] : memref<16384x512xf32, #tpu.memory_space<hbm>> -> memref<16384x512xf32, #tpu.memory_space<hbm>>
    tpu.wait_indirect_dma semaphore(%arg12 : memref<!tpu.dma_semaphore, #tpu.memory_space<semaphore_mem>>) src(%dma_wait3A_159 : memref<16384x512xf32, #tpu.memory_space<hbm>>) dst(%arg8 : memref<64x512xf32, #tpu.memory_space<vmem>>)
    %dma_wait3A_160 = arith.constant 256 : i32
    %dma_wait3A_161 = tpu.memref_slice %arg7[%dma_wait3A_160] : memref<512xi32, #tpu.memory_space<vmem>> -> memref<64xi32, #tpu.memory_space<vmem>>
    %dma_wait3A_162 = arith.constant 0 : i32
    %dma_wait3A_163 = arith.constant 0 : i32
    %dma_wait3A_164 = tpu.memref_slice %arg3[%dma_wait3A_162, %dma_wait3A_163] : memref<16384x128xf32, #tpu.memory_space<hbm>> -> memref<16384x128xf32, #tpu.memory_space<hbm>>
    tpu.wait_indirect_dma semaphore(%arg12 : memref<!tpu.dma_semaphore, #tpu.memory_space<semaphore_mem>>) src(%dma_wait3A_164 : memref<16384x128xf32, #tpu.memory_space<hbm>>) dst(%arg10 : memref<64x128xf32, #tpu.memory_space<vmem>>)
    %add3A_165 = arith.constant 256 : i32
    %add3A_166 = arith.addi %mul3A_2, %add3A_165 : i32
    %dma_start3A_167 = arith.constant 0 : i32
    %dma_start3A_168 = tpu.memref_slice %arg5[%add3A_166, %dma_start3A_167] : memref<16384x512xf32, #tpu.memory_space<hbm>> -> memref<64x512xf32, #tpu.memory_space<hbm>>
    %dma_start3A_169 = arith.constant 0 : i32
    %dma_start3A_170 = tpu.memref_slice %arg5[%add3A_166, %dma_start3A_169] : memref<16384x512xf32, #tpu.memory_space<hbm>> -> memref<64x512xf32, #tpu.memory_space<hbm>>
    tpu.enqueue_dma source(%arg8 : memref<64x512xf32, #tpu.memory_space<vmem>>) target(%dma_start3A_170 : memref<64x512xf32, #tpu.memory_space<hbm>>) target_semaphore(%arg14 : memref<!tpu.dma_semaphore, #tpu.memory_space<semaphore_mem>>)
    %dma_start3A_171 = arith.constant 0 : i32
    %dma_start3A_172 = tpu.memref_slice %arg6[%add3A_166, %dma_start3A_171] : memref<16384x128xf32, #tpu.memory_space<hbm>> -> memref<64x128xf32, #tpu.memory_space<hbm>>
    %dma_start3A_173 = arith.constant 0 : i32
    %dma_start3A_174 = tpu.memref_slice %arg6[%add3A_166, %dma_start3A_173] : memref<16384x128xf32, #tpu.memory_space<hbm>> -> memref<64x128xf32, #tpu.memory_space<hbm>>
    tpu.enqueue_dma source(%arg10 : memref<64x128xf32, #tpu.memory_space<vmem>>) target(%dma_start3A_174 : memref<64x128xf32, #tpu.memory_space<hbm>>) target_semaphore(%arg14 : memref<!tpu.dma_semaphore, #tpu.memory_space<semaphore_mem>>)
    %dma_wait3A_175 = arith.constant 0 : i32
    %dma_wait3A_176 = tpu.memref_slice %arg5[%add3A_128, %dma_wait3A_175] : memref<16384x512xf32, #tpu.memory_space<hbm>> -> memref<64x512xf32, #tpu.memory_space<hbm>>
    %dma_wait3A_177 = arith.constant 0 : i32
    %dma_wait3A_178 = tpu.memref_slice %arg5[%add3A_128, %dma_wait3A_177] : memref<16384x512xf32, #tpu.memory_space<hbm>> -> memref<64x512xf32, #tpu.memory_space<hbm>>
    tpu.wait_dma2 semaphore(%arg15 : memref<!tpu.dma_semaphore, #tpu.memory_space<semaphore_mem>>) src(%arg9 : memref<64x512xf32, #tpu.memory_space<vmem>>) dst(%dma_wait3A_178 : memref<64x512xf32, #tpu.memory_space<hbm>>)
    %dma_wait3A_179 = arith.constant 0 : i32
    %dma_wait3A_180 = tpu.memref_slice %arg6[%add3A_128, %dma_wait3A_179] : memref<16384x128xf32, #tpu.memory_space<hbm>> -> memref<64x128xf32, #tpu.memory_space<hbm>>
    %dma_wait3A_181 = arith.constant 0 : i32
    %dma_wait3A_182 = tpu.memref_slice %arg6[%add3A_128, %dma_wait3A_181] : memref<16384x128xf32, #tpu.memory_space<hbm>> -> memref<64x128xf32, #tpu.memory_space<hbm>>
    tpu.wait_dma2 semaphore(%arg15 : memref<!tpu.dma_semaphore, #tpu.memory_space<semaphore_mem>>) src(%arg11 : memref<64x128xf32, #tpu.memory_space<vmem>>) dst(%dma_wait3A_182 : memref<64x128xf32, #tpu.memory_space<hbm>>)
    %dma_start3A_183 = arith.constant 320 : i32
    %dma_start3A_184 = tpu.memref_slice %arg7[%dma_start3A_183] : memref<512xi32, #tpu.memory_space<vmem>> -> memref<64xi32, #tpu.memory_space<vmem>>
    %dma_start3A_185 = arith.constant 0 : i32
    %dma_start3A_186 = arith.constant 0 : i32
    %dma_start3A_187 = tpu.memref_slice %arg2[%dma_start3A_185, %dma_start3A_186] : memref<16384x512xf32, #tpu.memory_space<hbm>> -> memref<16384x512xf32, #tpu.memory_space<hbm>>
    tpu.enqueue_indirect_dma source(%dma_start3A_187 : memref<16384x512xf32, #tpu.memory_space<hbm>>) target(%arg9 : memref<64x512xf32, #tpu.memory_space<vmem>>) offsets(%dma_start3A_184 : memref<64xi32, #tpu.memory_space<vmem>>) semaphore(%arg13 : memref<!tpu.dma_semaphore, #tpu.memory_space<semaphore_mem>>)
    %dma_start3A_188 = arith.constant 320 : i32
    %dma_start3A_189 = tpu.memref_slice %arg7[%dma_start3A_188] : memref<512xi32, #tpu.memory_space<vmem>> -> memref<64xi32, #tpu.memory_space<vmem>>
    %dma_start3A_190 = arith.constant 0 : i32
    %dma_start3A_191 = arith.constant 0 : i32
    %dma_start3A_192 = tpu.memref_slice %arg3[%dma_start3A_190, %dma_start3A_191] : memref<16384x128xf32, #tpu.memory_space<hbm>> -> memref<16384x128xf32, #tpu.memory_space<hbm>>
    tpu.enqueue_indirect_dma source(%dma_start3A_192 : memref<16384x128xf32, #tpu.memory_space<hbm>>) target(%arg11 : memref<64x128xf32, #tpu.memory_space<vmem>>) offsets(%dma_start3A_189 : memref<64xi32, #tpu.memory_space<vmem>>) semaphore(%arg13 : memref<!tpu.dma_semaphore, #tpu.memory_space<semaphore_mem>>)
    %dma_wait3A_193 = arith.constant 320 : i32
    %dma_wait3A_194 = tpu.memref_slice %arg7[%dma_wait3A_193] : memref<512xi32, #tpu.memory_space<vmem>> -> memref<64xi32, #tpu.memory_space<vmem>>
    %dma_wait3A_195 = arith.constant 0 : i32
    %dma_wait3A_196 = arith.constant 0 : i32
    %dma_wait3A_197 = tpu.memref_slice %arg2[%dma_wait3A_195, %dma_wait3A_196] : memref<16384x512xf32, #tpu.memory_space<hbm>> -> memref<16384x512xf32, #tpu.memory_space<hbm>>
    tpu.wait_indirect_dma semaphore(%arg13 : memref<!tpu.dma_semaphore, #tpu.memory_space<semaphore_mem>>) src(%dma_wait3A_197 : memref<16384x512xf32, #tpu.memory_space<hbm>>) dst(%arg9 : memref<64x512xf32, #tpu.memory_space<vmem>>)
    %dma_wait3A_198 = arith.constant 320 : i32
    %dma_wait3A_199 = tpu.memref_slice %arg7[%dma_wait3A_198] : memref<512xi32, #tpu.memory_space<vmem>> -> memref<64xi32, #tpu.memory_space<vmem>>
    %dma_wait3A_200 = arith.constant 0 : i32
    %dma_wait3A_201 = arith.constant 0 : i32
    %dma_wait3A_202 = tpu.memref_slice %arg3[%dma_wait3A_200, %dma_wait3A_201] : memref<16384x128xf32, #tpu.memory_space<hbm>> -> memref<16384x128xf32, #tpu.memory_space<hbm>>
    tpu.wait_indirect_dma semaphore(%arg13 : memref<!tpu.dma_semaphore, #tpu.memory_space<semaphore_mem>>) src(%dma_wait3A_202 : memref<16384x128xf32, #tpu.memory_space<hbm>>) dst(%arg11 : memref<64x128xf32, #tpu.memory_space<vmem>>)
    %add3A_203 = arith.constant 320 : i32
    %add3A_204 = arith.addi %mul3A_2, %add3A_203 : i32
    %dma_start3A_205 = arith.constant 0 : i32
    %dma_start3A_206 = tpu.memref_slice %arg5[%add3A_204, %dma_start3A_205] : memref<16384x512xf32, #tpu.memory_space<hbm>> -> memref<64x512xf32, #tpu.memory_space<hbm>>
    %dma_start3A_207 = arith.constant 0 : i32
    %dma_start3A_208 = tpu.memref_slice %arg5[%add3A_204, %dma_start3A_207] : memref<16384x512xf32, #tpu.memory_space<hbm>> -> memref<64x512xf32, #tpu.memory_space<hbm>>
    tpu.enqueue_dma source(%arg9 : memref<64x512xf32, #tpu.memory_space<vmem>>) target(%dma_start3A_208 : memref<64x512xf32, #tpu.memory_space<hbm>>) target_semaphore(%arg15 : memref<!tpu.dma_semaphore, #tpu.memory_space<semaphore_mem>>)
    %dma_start3A_209 = arith.constant 0 : i32
    %dma_start3A_210 = tpu.memref_slice %arg6[%add3A_204, %dma_start3A_209] : memref<16384x128xf32, #tpu.memory_space<hbm>> -> memref<64x128xf32, #tpu.memory_space<hbm>>
    %dma_start3A_211 = arith.constant 0 : i32
    %dma_start3A_212 = tpu.memref_slice %arg6[%add3A_204, %dma_start3A_211] : memref<16384x128xf32, #tpu.memory_space<hbm>> -> memref<64x128xf32, #tpu.memory_space<hbm>>
    tpu.enqueue_dma source(%arg11 : memref<64x128xf32, #tpu.memory_space<vmem>>) target(%dma_start3A_212 : memref<64x128xf32, #tpu.memory_space<hbm>>) target_semaphore(%arg15 : memref<!tpu.dma_semaphore, #tpu.memory_space<semaphore_mem>>)
    %dma_wait3A_213 = arith.constant 0 : i32
    %dma_wait3A_214 = tpu.memref_slice %arg5[%add3A_166, %dma_wait3A_213] : memref<16384x512xf32, #tpu.memory_space<hbm>> -> memref<64x512xf32, #tpu.memory_space<hbm>>
    %dma_wait3A_215 = arith.constant 0 : i32
    %dma_wait3A_216 = tpu.memref_slice %arg5[%add3A_166, %dma_wait3A_215] : memref<16384x512xf32, #tpu.memory_space<hbm>> -> memref<64x512xf32, #tpu.memory_space<hbm>>
    tpu.wait_dma2 semaphore(%arg14 : memref<!tpu.dma_semaphore, #tpu.memory_space<semaphore_mem>>) src(%arg8 : memref<64x512xf32, #tpu.memory_space<vmem>>) dst(%dma_wait3A_216 : memref<64x512xf32, #tpu.memory_space<hbm>>)
    %dma_wait3A_217 = arith.constant 0 : i32
    %dma_wait3A_218 = tpu.memref_slice %arg6[%add3A_166, %dma_wait3A_217] : memref<16384x128xf32, #tpu.memory_space<hbm>> -> memref<64x128xf32, #tpu.memory_space<hbm>>
    %dma_wait3A_219 = arith.constant 0 : i32
    %dma_wait3A_220 = tpu.memref_slice %arg6[%add3A_166, %dma_wait3A_219] : memref<16384x128xf32, #tpu.memory_space<hbm>> -> memref<64x128xf32, #tpu.memory_space<hbm>>
    tpu.wait_dma2 semaphore(%arg14 : memref<!tpu.dma_semaphore, #tpu.memory_space<semaphore_mem>>) src(%arg10 : memref<64x128xf32, #tpu.memory_space<vmem>>) dst(%dma_wait3A_220 : memref<64x128xf32, #tpu.memory_space<hbm>>)
    %dma_start3A_221 = arith.constant 384 : i32
    %dma_start3A_222 = tpu.memref_slice %arg7[%dma_start3A_221] : memref<512xi32, #tpu.memory_space<vmem>> -> memref<64xi32, #tpu.memory_space<vmem>>
    %dma_start3A_223 = arith.constant 0 : i32
    %dma_start3A_224 = arith.constant 0 : i32
    %dma_start3A_225 = tpu.memref_slice %arg2[%dma_start3A_223, %dma_start3A_224] : memref<16384x512xf32, #tpu.memory_space<hbm>> -> memref<16384x512xf32, #tpu.memory_space<hbm>>
    tpu.enqueue_indirect_dma source(%dma_start3A_225 : memref<16384x512xf32, #tpu.memory_space<hbm>>) target(%arg8 : memref<64x512xf32, #tpu.memory_space<vmem>>) offsets(%dma_start3A_222 : memref<64xi32, #tpu.memory_space<vmem>>) semaphore(%arg12 : memref<!tpu.dma_semaphore, #tpu.memory_space<semaphore_mem>>)
    %dma_start3A_226 = arith.constant 384 : i32
    %dma_start3A_227 = tpu.memref_slice %arg7[%dma_start3A_226] : memref<512xi32, #tpu.memory_space<vmem>> -> memref<64xi32, #tpu.memory_space<vmem>>
    %dma_start3A_228 = arith.constant 0 : i32
    %dma_start3A_229 = arith.constant 0 : i32
    %dma_start3A_230 = tpu.memref_slice %arg3[%dma_start3A_228, %dma_start3A_229] : memref<16384x128xf32, #tpu.memory_space<hbm>> -> memref<16384x128xf32, #tpu.memory_space<hbm>>
    tpu.enqueue_indirect_dma source(%dma_start3A_230 : memref<16384x128xf32, #tpu.memory_space<hbm>>) target(%arg10 : memref<64x128xf32, #tpu.memory_space<vmem>>) offsets(%dma_start3A_227 : memref<64xi32, #tpu.memory_space<vmem>>) semaphore(%arg12 : memref<!tpu.dma_semaphore, #tpu.memory_space<semaphore_mem>>)
    %dma_wait3A_231 = arith.constant 384 : i32
    %dma_wait3A_232 = tpu.memref_slice %arg7[%dma_wait3A_231] : memref<512xi32, #tpu.memory_space<vmem>> -> memref<64xi32, #tpu.memory_space<vmem>>
    %dma_wait3A_233 = arith.constant 0 : i32
    %dma_wait3A_234 = arith.constant 0 : i32
    %dma_wait3A_235 = tpu.memref_slice %arg2[%dma_wait3A_233, %dma_wait3A_234] : memref<16384x512xf32, #tpu.memory_space<hbm>> -> memref<16384x512xf32, #tpu.memory_space<hbm>>
    tpu.wait_indirect_dma semaphore(%arg12 : memref<!tpu.dma_semaphore, #tpu.memory_space<semaphore_mem>>) src(%dma_wait3A_235 : memref<16384x512xf32, #tpu.memory_space<hbm>>) dst(%arg8 : memref<64x512xf32, #tpu.memory_space<vmem>>)
    %dma_wait3A_236 = arith.constant 384 : i32
    %dma_wait3A_237 = tpu.memref_slice %arg7[%dma_wait3A_236] : memref<512xi32, #tpu.memory_space<vmem>> -> memref<64xi32, #tpu.memory_space<vmem>>
    %dma_wait3A_238 = arith.constant 0 : i32
    %dma_wait3A_239 = arith.constant 0 : i32
    %dma_wait3A_240 = tpu.memref_slice %arg3[%dma_wait3A_238, %dma_wait3A_239] : memref<16384x128xf32, #tpu.memory_space<hbm>> -> memref<16384x128xf32, #tpu.memory_space<hbm>>
    tpu.wait_indirect_dma semaphore(%arg12 : memref<!tpu.dma_semaphore, #tpu.memory_space<semaphore_mem>>) src(%dma_wait3A_240 : memref<16384x128xf32, #tpu.memory_space<hbm>>) dst(%arg10 : memref<64x128xf32, #tpu.memory_space<vmem>>)
    %add3A_241 = arith.constant 384 : i32
    %add3A_242 = arith.addi %mul3A_2, %add3A_241 : i32
    %dma_start3A_243 = arith.constant 0 : i32
    %dma_start3A_244 = tpu.memref_slice %arg5[%add3A_242, %dma_start3A_243] : memref<16384x512xf32, #tpu.memory_space<hbm>> -> memref<64x512xf32, #tpu.memory_space<hbm>>
    %dma_start3A_245 = arith.constant 0 : i32
    %dma_start3A_246 = tpu.memref_slice %arg5[%add3A_242, %dma_start3A_245] : memref<16384x512xf32, #tpu.memory_space<hbm>> -> memref<64x512xf32, #tpu.memory_space<hbm>>
    tpu.enqueue_dma source(%arg8 : memref<64x512xf32, #tpu.memory_space<vmem>>) target(%dma_start3A_246 : memref<64x512xf32, #tpu.memory_space<hbm>>) target_semaphore(%arg14 : memref<!tpu.dma_semaphore, #tpu.memory_space<semaphore_mem>>)
    %dma_start3A_247 = arith.constant 0 : i32
    %dma_start3A_248 = tpu.memref_slice %arg6[%add3A_242, %dma_start3A_247] : memref<16384x128xf32, #tpu.memory_space<hbm>> -> memref<64x128xf32, #tpu.memory_space<hbm>>
    %dma_start3A_249 = arith.constant 0 : i32
    %dma_start3A_250 = tpu.memref_slice %arg6[%add3A_242, %dma_start3A_249] : memref<16384x128xf32, #tpu.memory_space<hbm>> -> memref<64x128xf32, #tpu.memory_space<hbm>>
    tpu.enqueue_dma source(%arg10 : memref<64x128xf32, #tpu.memory_space<vmem>>) target(%dma_start3A_250 : memref<64x128xf32, #tpu.memory_space<hbm>>) target_semaphore(%arg14 : memref<!tpu.dma_semaphore, #tpu.memory_space<semaphore_mem>>)
    %dma_wait3A_251 = arith.constant 0 : i32
    %dma_wait3A_252 = tpu.memref_slice %arg5[%add3A_204, %dma_wait3A_251] : memref<16384x512xf32, #tpu.memory_space<hbm>> -> memref<64x512xf32, #tpu.memory_space<hbm>>
    %dma_wait3A_253 = arith.constant 0 : i32
    %dma_wait3A_254 = tpu.memref_slice %arg5[%add3A_204, %dma_wait3A_253] : memref<16384x512xf32, #tpu.memory_space<hbm>> -> memref<64x512xf32, #tpu.memory_space<hbm>>
    tpu.wait_dma2 semaphore(%arg15 : memref<!tpu.dma_semaphore, #tpu.memory_space<semaphore_mem>>) src(%arg9 : memref<64x512xf32, #tpu.memory_space<vmem>>) dst(%dma_wait3A_254 : memref<64x512xf32, #tpu.memory_space<hbm>>)
    %dma_wait3A_255 = arith.constant 0 : i32
    %dma_wait3A_256 = tpu.memref_slice %arg6[%add3A_204, %dma_wait3A_255] : memref<16384x128xf32, #tpu.memory_space<hbm>> -> memref<64x128xf32, #tpu.memory_space<hbm>>
    %dma_wait3A_257 = arith.constant 0 : i32
    %dma_wait3A_258 = tpu.memref_slice %arg6[%add3A_204, %dma_wait3A_257] : memref<16384x128xf32, #tpu.memory_space<hbm>> -> memref<64x128xf32, #tpu.memory_space<hbm>>
    tpu.wait_dma2 semaphore(%arg15 : memref<!tpu.dma_semaphore, #tpu.memory_space<semaphore_mem>>) src(%arg11 : memref<64x128xf32, #tpu.memory_space<vmem>>) dst(%dma_wait3A_258 : memref<64x128xf32, #tpu.memory_space<hbm>>)
    %dma_start3A_259 = arith.constant 448 : i32
    %dma_start3A_260 = tpu.memref_slice %arg7[%dma_start3A_259] : memref<512xi32, #tpu.memory_space<vmem>> -> memref<64xi32, #tpu.memory_space<vmem>>
    %dma_start3A_261 = arith.constant 0 : i32
    %dma_start3A_262 = arith.constant 0 : i32
    %dma_start3A_263 = tpu.memref_slice %arg2[%dma_start3A_261, %dma_start3A_262] : memref<16384x512xf32, #tpu.memory_space<hbm>> -> memref<16384x512xf32, #tpu.memory_space<hbm>>
    tpu.enqueue_indirect_dma source(%dma_start3A_263 : memref<16384x512xf32, #tpu.memory_space<hbm>>) target(%arg9 : memref<64x512xf32, #tpu.memory_space<vmem>>) offsets(%dma_start3A_260 : memref<64xi32, #tpu.memory_space<vmem>>) semaphore(%arg13 : memref<!tpu.dma_semaphore, #tpu.memory_space<semaphore_mem>>)
    %dma_start3A_264 = arith.constant 448 : i32
    %dma_start3A_265 = tpu.memref_slice %arg7[%dma_start3A_264] : memref<512xi32, #tpu.memory_space<vmem>> -> memref<64xi32, #tpu.memory_space<vmem>>
    %dma_start3A_266 = arith.constant 0 : i32
    %dma_start3A_267 = arith.constant 0 : i32
    %dma_start3A_268 = tpu.memref_slice %arg3[%dma_start3A_266, %dma_start3A_267] : memref<16384x128xf32, #tpu.memory_space<hbm>> -> memref<16384x128xf32, #tpu.memory_space<hbm>>
    tpu.enqueue_indirect_dma source(%dma_start3A_268 : memref<16384x128xf32, #tpu.memory_space<hbm>>) target(%arg11 : memref<64x128xf32, #tpu.memory_space<vmem>>) offsets(%dma_start3A_265 : memref<64xi32, #tpu.memory_space<vmem>>) semaphore(%arg13 : memref<!tpu.dma_semaphore, #tpu.memory_space<semaphore_mem>>)
    %dma_wait3A_269 = arith.constant 448 : i32
    %dma_wait3A_270 = tpu.memref_slice %arg7[%dma_wait3A_269] : memref<512xi32, #tpu.memory_space<vmem>> -> memref<64xi32, #tpu.memory_space<vmem>>
    %dma_wait3A_271 = arith.constant 0 : i32
    %dma_wait3A_272 = arith.constant 0 : i32
    %dma_wait3A_273 = tpu.memref_slice %arg2[%dma_wait3A_271, %dma_wait3A_272] : memref<16384x512xf32, #tpu.memory_space<hbm>> -> memref<16384x512xf32, #tpu.memory_space<hbm>>
    tpu.wait_indirect_dma semaphore(%arg13 : memref<!tpu.dma_semaphore, #tpu.memory_space<semaphore_mem>>) src(%dma_wait3A_273 : memref<16384x512xf32, #tpu.memory_space<hbm>>) dst(%arg9 : memref<64x512xf32, #tpu.memory_space<vmem>>)
    %dma_wait3A_274 = arith.constant 448 : i32
    %dma_wait3A_275 = tpu.memref_slice %arg7[%dma_wait3A_274] : memref<512xi32, #tpu.memory_space<vmem>> -> memref<64xi32, #tpu.memory_space<vmem>>
    %dma_wait3A_276 = arith.constant 0 : i32
    %dma_wait3A_277 = arith.constant 0 : i32
    %dma_wait3A_278 = tpu.memref_slice %arg3[%dma_wait3A_276, %dma_wait3A_277] : memref<16384x128xf32, #tpu.memory_space<hbm>> -> memref<16384x128xf32, #tpu.memory_space<hbm>>
    tpu.wait_indirect_dma semaphore(%arg13 : memref<!tpu.dma_semaphore, #tpu.memory_space<semaphore_mem>>) src(%dma_wait3A_278 : memref<16384x128xf32, #tpu.memory_space<hbm>>) dst(%arg11 : memref<64x128xf32, #tpu.memory_space<vmem>>)
    %add3A_279 = arith.constant 448 : i32
    %add3A_280 = arith.addi %mul3A_2, %add3A_279 : i32
    %dma_start3A_281 = arith.constant 0 : i32
    %dma_start3A_282 = tpu.memref_slice %arg5[%add3A_280, %dma_start3A_281] : memref<16384x512xf32, #tpu.memory_space<hbm>> -> memref<64x512xf32, #tpu.memory_space<hbm>>
    %dma_start3A_283 = arith.constant 0 : i32
    %dma_start3A_284 = tpu.memref_slice %arg5[%add3A_280, %dma_start3A_283] : memref<16384x512xf32, #tpu.memory_space<hbm>> -> memref<64x512xf32, #tpu.memory_space<hbm>>
    tpu.enqueue_dma source(%arg9 : memref<64x512xf32, #tpu.memory_space<vmem>>) target(%dma_start3A_284 : memref<64x512xf32, #tpu.memory_space<hbm>>) target_semaphore(%arg15 : memref<!tpu.dma_semaphore, #tpu.memory_space<semaphore_mem>>)
    %dma_start3A_285 = arith.constant 0 : i32
    %dma_start3A_286 = tpu.memref_slice %arg6[%add3A_280, %dma_start3A_285] : memref<16384x128xf32, #tpu.memory_space<hbm>> -> memref<64x128xf32, #tpu.memory_space<hbm>>
    %dma_start3A_287 = arith.constant 0 : i32
    %dma_start3A_288 = tpu.memref_slice %arg6[%add3A_280, %dma_start3A_287] : memref<16384x128xf32, #tpu.memory_space<hbm>> -> memref<64x128xf32, #tpu.memory_space<hbm>>
    tpu.enqueue_dma source(%arg11 : memref<64x128xf32, #tpu.memory_space<vmem>>) target(%dma_start3A_288 : memref<64x128xf32, #tpu.memory_space<hbm>>) target_semaphore(%arg15 : memref<!tpu.dma_semaphore, #tpu.memory_space<semaphore_mem>>)
    %dma_wait3A_289 = arith.constant 0 : i32
    %dma_wait3A_290 = tpu.memref_slice %arg5[%add3A_242, %dma_wait3A_289] : memref<16384x512xf32, #tpu.memory_space<hbm>> -> memref<64x512xf32, #tpu.memory_space<hbm>>
    %dma_wait3A_291 = arith.constant 0 : i32
    %dma_wait3A_292 = tpu.memref_slice %arg5[%add3A_242, %dma_wait3A_291] : memref<16384x512xf32, #tpu.memory_space<hbm>> -> memref<64x512xf32, #tpu.memory_space<hbm>>
    tpu.wait_dma2 semaphore(%arg14 : memref<!tpu.dma_semaphore, #tpu.memory_space<semaphore_mem>>) src(%arg8 : memref<64x512xf32, #tpu.memory_space<vmem>>) dst(%dma_wait3A_292 : memref<64x512xf32, #tpu.memory_space<hbm>>)
    %dma_wait3A_293 = arith.constant 0 : i32
    %dma_wait3A_294 = tpu.memref_slice %arg6[%add3A_242, %dma_wait3A_293] : memref<16384x128xf32, #tpu.memory_space<hbm>> -> memref<64x128xf32, #tpu.memory_space<hbm>>
    %dma_wait3A_295 = arith.constant 0 : i32
    %dma_wait3A_296 = tpu.memref_slice %arg6[%add3A_242, %dma_wait3A_295] : memref<16384x128xf32, #tpu.memory_space<hbm>> -> memref<64x128xf32, #tpu.memory_space<hbm>>
    tpu.wait_dma2 semaphore(%arg14 : memref<!tpu.dma_semaphore, #tpu.memory_space<semaphore_mem>>) src(%arg10 : memref<64x128xf32, #tpu.memory_space<vmem>>) dst(%dma_wait3A_296 : memref<64x128xf32, #tpu.memory_space<hbm>>)
    %dma_wait3A_297 = arith.constant 0 : i32
    %dma_wait3A_298 = tpu.memref_slice %arg5[%add3A_280, %dma_wait3A_297] : memref<16384x512xf32, #tpu.memory_space<hbm>> -> memref<64x512xf32, #tpu.memory_space<hbm>>
    %dma_wait3A_299 = arith.constant 0 : i32
    %dma_wait3A_300 = tpu.memref_slice %arg5[%add3A_280, %dma_wait3A_299] : memref<16384x512xf32, #tpu.memory_space<hbm>> -> memref<64x512xf32, #tpu.memory_space<hbm>>
    tpu.wait_dma2 semaphore(%arg15 : memref<!tpu.dma_semaphore, #tpu.memory_space<semaphore_mem>>) src(%arg9 : memref<64x512xf32, #tpu.memory_space<vmem>>) dst(%dma_wait3A_300 : memref<64x512xf32, #tpu.memory_space<hbm>>)
    %dma_wait3A_301 = arith.constant 0 : i32
    %dma_wait3A_302 = tpu.memref_slice %arg6[%add3A_280, %dma_wait3A_301] : memref<16384x128xf32, #tpu.memory_space<hbm>> -> memref<64x128xf32, #tpu.memory_space<hbm>>
    %dma_wait3A_303 = arith.constant 0 : i32
    %dma_wait3A_304 = tpu.memref_slice %arg6[%add3A_280, %dma_wait3A_303] : memref<16384x128xf32, #tpu.memory_space<hbm>> -> memref<64x128xf32, #tpu.memory_space<hbm>>
    tpu.wait_dma2 semaphore(%arg15 : memref<!tpu.dma_semaphore, #tpu.memory_space<semaphore_mem>>) src(%arg11 : memref<64x128xf32, #tpu.memory_space<vmem>>) dst(%dma_wait3A_304 : memref<64x128xf32, #tpu.memory_space<hbm>>)
    return
  }
}

module attributes {stable_mosaic.version = 14 : i64} {
  func.func @_labels_body(%arg0: i32, %arg1: memref<256x64xf32, #tpu.memory_space<vmem>>, %arg2: memref<64x64xf32, #tpu.memory_space<vmem>>, %arg3: memref<256x64xi32, #tpu.memory_space<vmem>>, %arg4: memref<256x128xf32, #tpu.memory_space<vmem>>) attributes {dimension_semantics = [#tpu.dimension_semantics<arbitrary>], iteration_bounds = array<i64: 64>, scalar_prefetch = 0 : i64, scratch_operands = 0 : i64, tpu.core_type = #tpu.core_type<tc>, window_params = [{transform_indices = @transform_0, window_bounds = array<i64: 256, 64>}, {pipeline_mode = #tpu.pipeline_mode<synchronous>, transform_indices = @transform_1, window_bounds = array<i64: 64, 64>}, {transform_indices = @transform_2, window_bounds = array<i64: 256, 64>}, {transform_indices = @transform_3, window_bounds = array<i64: 256, 128>}]} {
    %get3A = arith.constant 0 : index
    %get3A_0 = arith.constant 0 : index
    %get3A_1 = vector.load %arg1[%get3A, %get3A_0] : memref<256x64xf32, #tpu.memory_space<vmem>>, vector<256x64xf32>
    %get3A_2 = arith.constant 0 : index
    %get3A_3 = arith.constant 0 : index
    %get3A_4 = vector.load %arg2[%get3A_2, %get3A_3] : memref<64x64xf32, #tpu.memory_space<vmem>>, vector<64x64xf32>
    %mul3A = arith.mulf %get3A_1, %get3A_1 : vector<256x64xf32>
    %reduce_sum3A = arith.constant dense<0.000000e+00> : vector<256xf32>
    %reduce_sum3A_5 = vector.multi_reduction <add>, %mul3A, %reduce_sum3A [1] : vector<256x64xf32> to vector<256xf32>
    %broadcast_in_dim3A = vector.shape_cast %reduce_sum3A_5 : vector<256xf32> to vector<256x1xf32>
    %dot_general3A = arith.constant dense<0.000000e+00> : vector<256x64xf32>
    %dot_general3A_6 = tpu.matmul %get3A_1, %get3A_4, %dot_general3A {dimension_numbers = #tpu.dot_dimension_numbers<[1], [1], [0], [0], [0, 0, 1, 0], [], []>, transpose_lhs_hint = false} : vector<256x64xf32>, vector<64x64xf32>, vector<256x64xf32> -> vector<256x64xf32>
    %mul3A_7 = arith.constant 2.000000e+00 : f32
    %mul3A_8 = vector.broadcast %mul3A_7 : f32 to vector<256x64xf32>
    %mul3A_9 = arith.mulf %mul3A_8, %dot_general3A_6 : vector<256x64xf32>
    %sub3A = vector.broadcast %broadcast_in_dim3A : vector<256x1xf32> to vector<256x64xf32>
    %sub3A_10 = arith.subf %sub3A, %mul3A_9 : vector<256x64xf32>
    %mul3A_11 = arith.mulf %get3A_4, %get3A_4 : vector<64x64xf32>
    %reduce_sum3A_12 = arith.constant dense<0.000000e+00> : vector<64xf32>
    %reduce_sum3A_13 = vector.multi_reduction <add>, %mul3A_11, %reduce_sum3A_12 [1] : vector<64x64xf32> to vector<64xf32>
    %broadcast_in_dim3A_14 = vector.shape_cast %reduce_sum3A_13 : vector<64xf32> to vector<1x64xf32>
    %add3A = vector.broadcast %broadcast_in_dim3A_14 : vector<1x64xf32> to vector<256x64xf32>
    %add3A_15 = arith.addf %sub3A_10, %add3A : vector<256x64xf32>
    %argmin3A = tpu.reduce_index %add3A_15 {axis = 1 : i32, kind = #tpu.reduction_kind<arg_min>} : vector<256x64xf32> -> vector<256xi32>
    %broadcast_in_dim3A_16 = vector.shape_cast %argmin3A : vector<256xi32> to vector<256x1xi32>
    %broadcast_in_dim3A_17 = vector.shape_cast %broadcast_in_dim3A_16 : vector<256x1xi32> to vector<256x1xi32>
    %broadcast_in_dim3A_18 = vector.broadcast %broadcast_in_dim3A_17 : vector<256x1xi32> to vector<256x64xi32>
    %swap3A = arith.constant 0 : index
    %swap3A_19 = arith.constant 0 : index
    %swap3A_20 = vector.load %arg3[%swap3A, %swap3A_19] : memref<256x64xi32, #tpu.memory_space<vmem>>, vector<256x64xi32>
    tpu.vector_store %arg3[%swap3A, %swap3A_19], %broadcast_in_dim3A_18 {strides = array<i32>} : memref<256x64xi32, #tpu.memory_space<vmem>>, vector<256x64xi32>,
    %iota3A = tpu.iota {dimensions = array<i32: 1>} : vector<256x64xi32>
    %broadcast_in_dim3A_21 = vector.shape_cast %argmin3A : vector<256xi32> to vector<256x1xi32>
    %eq3A = vector.broadcast %broadcast_in_dim3A_21 : vector<256x1xi32> to vector<256x64xi32>
    %eq3A_22 = arith.cmpi eq, %iota3A, %eq3A : vector<256x64xi32>
    %convert_element_type3A = arith.extui %eq3A_22 : vector<256x64xi1> to vector<256x64xi32>
    %convert_element_type3A_23 = arith.sitofp %convert_element_type3A : vector<256x64xi32> to vector<256x64xf32>
    %dot_general3A_24 = arith.constant dense<0.000000e+00> : vector<256x64xf32>
    %dot_general3A_25 = tpu.matmul %convert_element_type3A_23, %get3A_4, %dot_general3A_24 {dimension_numbers = #tpu.dot_dimension_numbers<[1], [0], [0], [1], [0, 0, 1, 1], [], []>, transpose_lhs_hint = false} : vector<256x64xf32>, vector<64x64xf32>, vector<256x64xf32> -> vector<256x64xf32>
    %sub3A_26 = arith.subf %get3A_1, %dot_general3A_25 : vector<256x64xf32>
    %concatenate3A = tpu.concatenate %sub3A_26, %convert_element_type3A_23 in 1 : vector<256x64xf32>, vector<256x64xf32> -> vector<256x128xf32>
    %swap3A_27 = arith.constant 0 : index
    %swap3A_28 = arith.constant 0 : index
    %swap3A_29 = vector.load %arg4[%swap3A_27, %swap3A_28] : memref<256x128xf32, #tpu.memory_space<vmem>>, vector<256x128xf32>
    tpu.vector_store %arg4[%swap3A_27, %swap3A_28], %concatenate3A {strides = array<i32>} : memref<256x128xf32, #tpu.memory_space<vmem>>, vector<256x128xf32>,
    return
  }
  func.func @transform_0(%arg0: i32) -> (i32, i32) {
    %c0_i32 = arith.constant 0 : i32
    %c0_i32_0 = arith.constant 0 : i32
    return %arg0, %c0_i32 : i32, i32
  }
  func.func @transform_1(%arg0: i32) -> (i32, i32) {
    %c0_i32 = arith.constant 0 : i32
    %c0_i32_0 = arith.constant 0 : i32
    %c0_i32_1 = arith.constant 0 : i32
    return %c0_i32, %c0_i32_0 : i32, i32
  }
  func.func @transform_2(%arg0: i32) -> (i32, i32) {
    %c0_i32 = arith.constant 0 : i32
    %c0_i32_0 = arith.constant 0 : i32
    return %arg0, %c0_i32 : i32, i32
  }
  func.func @transform_3(%arg0: i32) -> (i32, i32) {
    %c0_i32 = arith.constant 0 : i32
    %c0_i32_0 = arith.constant 0 : i32
    return %arg0, %c0_i32 : i32, i32
  }
}

module attributes {stable_mosaic.version = 14 : i64} {
  func.func @_fused_body(%arg0: i32, %arg1: memref<32xi32, #tpu.memory_space<smem>>, %arg2: memref<32xi32, #tpu.memory_space<smem>>, %arg3: memref<512x512xf32, #tpu.memory_space<vmem>>, %arg4: memref<512x2048xbf16, #tpu.memory_space<vmem>>, %arg5: memref<1x2048xf32, #tpu.memory_space<vmem>>, %arg6: memref<2048x2048xbf16, #tpu.memory_space<vmem>>, %arg7: memref<1x2048xf32, #tpu.memory_space<vmem>>, %arg8: memref<2048x64xbf16, #tpu.memory_space<vmem>>, %arg9: memref<1x64xf32, #tpu.memory_space<vmem>>, %arg10: memref<2048x4096xbf16, #tpu.memory_space<vmem>>, %arg11: memref<1x4096xf32, #tpu.memory_space<vmem>>, %arg12: memref<512x128xf32, #tpu.memory_space<vmem>>, %arg13: memref<1x2xf32, #tpu.memory_space<vmem>>) attributes {dimension_semantics = [#tpu.dimension_semantics<arbitrary>], iteration_bounds = array<i64: 32>, scalar_prefetch = 2 : i64, scratch_operands = 0 : i64, tpu.core_type = #tpu.core_type<tc>, window_params = [{transform_indices = @transform_0, window_bounds = array<i64: 512, 512>}, {pipeline_mode = #tpu.pipeline_mode<synchronous>, transform_indices = @transform_1, window_bounds = array<i64: 512, 2048>}, {pipeline_mode = #tpu.pipeline_mode<synchronous>, transform_indices = @transform_2, window_bounds = array<i64: 1, 2048>}, {pipeline_mode = #tpu.pipeline_mode<synchronous>, transform_indices = @transform_3, window_bounds = array<i64: 2048, 2048>}, {pipeline_mode = #tpu.pipeline_mode<synchronous>, transform_indices = @transform_4, window_bounds = array<i64: 1, 2048>}, {pipeline_mode = #tpu.pipeline_mode<synchronous>, transform_indices = @transform_5, window_bounds = array<i64: 2048, 64>}, {pipeline_mode = #tpu.pipeline_mode<synchronous>, transform_indices = @transform_6, window_bounds = array<i64: 1, 64>}, {pipeline_mode = #tpu.pipeline_mode<synchronous>, transform_indices = @transform_7, window_bounds = array<i64: 2048, 4096>}, {pipeline_mode = #tpu.pipeline_mode<synchronous>, transform_indices = @transform_8, window_bounds = array<i64: 1, 4096>}, {transform_indices = @transform_9, window_bounds = array<i64: 512, 128>}, {pipeline_mode = #tpu.pipeline_mode<synchronous>, transform_indices = @transform_10, window_bounds = array<i64: 1, 2>}]} {
    %get3A = arith.constant 0 : index
    %get3A_0 = arith.constant 0 : index
    %get3A_1 = vector.load %arg4[%get3A, %get3A_0] : memref<512x2048xbf16, #tpu.memory_space<vmem>>, vector<512x2048xbf16>
    %get3A_2 = arith.constant 0 : index
    %get3A_3 = arith.constant 0 : index
    %get3A_4 = vector.load %arg6[%get3A_2, %get3A_3] : memref<2048x2048xbf16, #tpu.memory_space<vmem>>, vector<2048x2048xbf16>
    %get3A_5 = arith.constant 0 : index
    %get3A_6 = arith.constant 0 : index
    %get3A_7 = vector.load %arg3[%get3A_5, %get3A_6] : memref<512x512xf32, #tpu.memory_space<vmem>>, vector<256x512xf32>
    %convert_element_type3A = arith.truncf %get3A_7 : vector<256x512xf32> to vector<256x512xbf16>
    %dot_general3A = arith.constant dense<0.000000e+00> : vector<256x2048xf32>
    %dot_general3A_8 = tpu.matmul %convert_element_type3A, %get3A_1, %dot_general3A {dimension_numbers = #tpu.dot_dimension_numbers<[1], [0], [0], [1], [0, 0, 1, 1], [], []>, transpose_lhs_hint = false} : vector<256x512xbf16>, vector<512x2048xbf16>, vector<256x2048xf32> -> vector<256x2048xf32>
    %get3A_9 = arith.constant 0 : index
    %get3A_10 = arith.constant 0 : index
    %get3A_11 = vector.load %arg5[%get3A_9, %get3A_10] : memref<1x2048xf32, #tpu.memory_space<vmem>>, vector<1x2048xf32>
    %add3A = vector.broadcast %get3A_11 : vector<1x2048xf32> to vector<256x2048xf32>
    %add3A_12 = arith.addf %dot_general3A_8, %add3A : vector<256x2048xf32>
    %max3A = arith.constant 0.000000e+00 : f32
    %max3A_13 = vector.broadcast %max3A : f32 to vector<256x2048xf32>
    %max3A_14 = arith.maximumf %add3A_12, %max3A_13 : vector<256x2048xf32>
    %convert_element_type3A_15 = arith.truncf %max3A_14 : vector<256x2048xf32> to vector<256x2048xbf16>
    %dot_general3A_16 = arith.constant dense<0.000000e+00> : vector<256x2048xf32>
    %dot_general3A_17 = tpu.matmul %convert_element_type3A_15, %get3A_4, %dot_general3A_16 {dimension_numbers = #tpu.dot_dimension_numbers<[1], [0], [0], [1], [0, 0, 1, 1], [], []>, transpose_lhs_hint = false} : vector<256x2048xbf16>, vector<2048x2048xbf16>, vector<256x2048xf32> -> vector<256x2048xf32>
    %get3A_18 = arith.constant 0 : index
    %get3A_19 = arith.constant 0 : index
    %get3A_20 = vector.load %arg7[%get3A_18, %get3A_19] : memref<1x2048xf32, #tpu.memory_space<vmem>>, vector<1x2048xf32>
    %add3A_21 = vector.broadcast %get3A_20 : vector<1x2048xf32> to vector<256x2048xf32>
    %add3A_22 = arith.addf %dot_general3A_17, %add3A_21 : vector<256x2048xf32>
    %max3A_23 = arith.constant 0.000000e+00 : f32
    %max3A_24 = vector.broadcast %max3A_23 : f32 to vector<256x2048xf32>
    %max3A_25 = arith.maximumf %add3A_22, %max3A_24 : vector<256x2048xf32>
    %convert_element_type3A_26 = arith.truncf %max3A_25 : vector<256x2048xf32> to vector<256x2048xbf16>
    %get3A_27 = arith.constant 256 : index
    %get3A_28 = arith.constant 0 : index
    %get3A_29 = vector.load %arg3[%get3A_27, %get3A_28] : memref<512x512xf32, #tpu.memory_space<vmem>>, vector<256x512xf32>
    %convert_element_type3A_30 = arith.truncf %get3A_29 : vector<256x512xf32> to vector<256x512xbf16>
    %dot_general3A_31 = arith.constant dense<0.000000e+00> : vector<256x2048xf32>
    %dot_general3A_32 = tpu.matmul %convert_element_type3A_30, %get3A_1, %dot_general3A_31 {dimension_numbers = #tpu.dot_dimension_numbers<[1], [0], [0], [1], [0, 0, 1, 1], [], []>, transpose_lhs_hint = false} : vector<256x512xbf16>, vector<512x2048xbf16>, vector<256x2048xf32> -> vector<256x2048xf32>
    %get3A_33 = arith.constant 0 : index
    %get3A_34 = arith.constant 0 : index
    %get3A_35 = vector.load %arg5[%get3A_33, %get3A_34] : memref<1x2048xf32, #tpu.memory_space<vmem>>, vector<1x2048xf32>
    %add3A_36 = vector.broadcast %get3A_35 : vector<1x2048xf32> to vector<256x2048xf32>
    %add3A_37 = arith.addf %dot_general3A_32, %add3A_36 : vector<256x2048xf32>
    %max3A_38 = arith.constant 0.000000e+00 : f32
    %max3A_39 = vector.broadcast %max3A_38 : f32 to vector<256x2048xf32>
    %max3A_40 = arith.maximumf %add3A_37, %max3A_39 : vector<256x2048xf32>
    %convert_element_type3A_41 = arith.truncf %max3A_40 : vector<256x2048xf32> to vector<256x2048xbf16>
    %dot_general3A_42 = arith.constant dense<0.000000e+00> : vector<256x2048xf32>
    %dot_general3A_43 = tpu.matmul %convert_element_type3A_41, %get3A_4, %dot_general3A_42 {dimension_numbers = #tpu.dot_dimension_numbers<[1], [0], [0], [1], [0, 0, 1, 1], [], []>, transpose_lhs_hint = false} : vector<256x2048xbf16>, vector<2048x2048xbf16>, vector<256x2048xf32> -> vector<256x2048xf32>
    %get3A_44 = arith.constant 0 : index
    %get3A_45 = arith.constant 0 : index
    %get3A_46 = vector.load %arg7[%get3A_44, %get3A_45] : memref<1x2048xf32, #tpu.memory_space<vmem>>, vector<1x2048xf32>
    %add3A_47 = vector.broadcast %get3A_46 : vector<1x2048xf32> to vector<256x2048xf32>
    %add3A_48 = arith.addf %dot_general3A_43, %add3A_47 : vector<256x2048xf32>
    %max3A_49 = arith.constant 0.000000e+00 : f32
    %max3A_50 = vector.broadcast %max3A_49 : f32 to vector<256x2048xf32>
    %max3A_51 = arith.maximumf %add3A_48, %max3A_50 : vector<256x2048xf32>
    %convert_element_type3A_52 = arith.truncf %max3A_51 : vector<256x2048xf32> to vector<256x2048xbf16>
    %concatenate3A = tpu.concatenate %convert_element_type3A_26, %convert_element_type3A_52 in 0 : vector<256x2048xbf16>, vector<256x2048xbf16> -> vector<512x2048xbf16>
    %get3A_53 = arith.constant 0 : index
    %get3A_54 = arith.constant 0 : index
    %get3A_55 = vector.load %arg8[%get3A_53, %get3A_54] : memref<2048x64xbf16, #tpu.memory_space<vmem>>, vector<2048x64xbf16>
    %dot_general3A_56 = arith.constant dense<0.000000e+00> : vector<512x64xf32>
    %dot_general3A_57 = tpu.matmul %concatenate3A, %get3A_55, %dot_general3A_56 {dimension_numbers = #tpu.dot_dimension_numbers<[1], [0], [0], [1], [0, 0, 1, 1], [], []>, transpose_lhs_hint = false} : vector<512x2048xbf16>, vector<2048x64xbf16>, vector<512x64xf32> -> vector<512x64xf32>
    %get3A_58 = arith.constant 0 : index
    %get3A_59 = arith.constant 0 : index
    %get3A_60 = vector.load %arg9[%get3A_58, %get3A_59] : memref<1x64xf32, #tpu.memory_space<vmem>>, vector<1x64xf32>
    %add3A_61 = vector.broadcast %get3A_60 : vector<1x64xf32> to vector<512x64xf32>
    %add3A_62 = arith.addf %dot_general3A_57, %add3A_61 : vector<512x64xf32>
    %get3A_63 = arith.constant 0 : index
    %get3A_64 = arith.constant 64 : index
    %get3A_65 = vector.load %arg12[%get3A_63, %get3A_64] : memref<512x128xf32, #tpu.memory_space<vmem>>, vector<512x64xf32>
    %get3A_66 = arith.constant 0 : index
    %get3A_67 = arith.constant 0 : index
    %get3A_68 = vector.load %arg12[%get3A_66, %get3A_67] : memref<512x128xf32, #tpu.memory_space<vmem>>, vector<512x64xf32>
    %iota3A = tpu.iota {dimensions = array<i32: 1>} : vector<512x64xi32>
    %get3A_69 = arith.index_cast %arg0 : i32 to index
    %get3A_70 = memref.load %arg1[%get3A_69] : memref<32xi32, #tpu.memory_space<smem>>
    %get3A_71 = arith.index_cast %arg0 : i32 to index
    %get3A_72 = memref.load %arg2[%get3A_71] : memref<32xi32, #tpu.memory_space<smem>>
    %mul3A = arith.constant 2 : i32
    %mul3A_73 = arith.muli %get3A_70, %mul3A : i32
    %mul3A_74 = arith.constant 64 : i32
    %mul3A_75 = arith.muli %mul3A_73, %mul3A_74 : i32
    %get3A_76 = arith.constant 0 : index
    %get3A_77 = arith.index_cast %mul3A_75 : i32 to index
    %get3A_78 = vector.load %arg10[%get3A_76, %get3A_77] : memref<2048x4096xbf16, #tpu.memory_space<vmem>>, vector<2048x128xbf16>
    %dot_general3A_79 = arith.constant dense<0.000000e+00> : vector<512x128xf32>
    %dot_general3A_80 = tpu.matmul %concatenate3A, %get3A_78, %dot_general3A_79 {dimension_numbers = #tpu.dot_dimension_numbers<[1], [0], [0], [1], [0, 0, 1, 1], [], []>, transpose_lhs_hint = false} : vector<512x2048xbf16>, vector<2048x128xbf16>, vector<512x128xf32> -> vector<512x128xf32>
    %mul3A_81 = arith.constant 2 : i32
    %mul3A_82 = arith.muli %get3A_70, %mul3A_81 : i32
    %mul3A_83 = arith.constant 64 : i32
    %mul3A_84 = arith.muli %mul3A_82, %mul3A_83 : i32
    %get3A_85 = arith.constant 0 : index
    %get3A_86 = arith.index_cast %mul3A_84 : i32 to index
    %get3A_87 = vector.load %arg11[%get3A_85, %get3A_86] : memref<1x4096xf32, #tpu.memory_space<vmem>>, vector<1x128xf32>
    %add3A_88 = vector.broadcast %get3A_87 : vector<1x128xf32> to vector<512x128xf32>
    %add3A_89 = arith.addf %dot_general3A_80, %add3A_88 : vector<512x128xf32>
    %mul3A_90 = arith.constant 2 : i32
    %mul3A_91 = arith.muli %mul3A_90, %get3A_70 : i32
    %eq3A = vector.broadcast %mul3A_91 : i32 to vector<512x64xi32>
    %eq3A_92 = arith.cmpi eq, %iota3A, %eq3A : vector<512x64xi32>
    %jit3A = arith.constant 0.000000e+00 : f32
    %broadcast_in_dim3A = vector.broadcast %jit3A : f32 to vector<512x64xf32>
    %select_n3A = arith.select %eq3A_92, %get3A_65, %broadcast_in_dim3A : vector<512x64xi1>, vector<512x64xf32>
    %jit3A_93 = arith.constant true
    %jit3A_94 = arith.constant 0.000000e+00 : f32
    %broadcast_in_dim3A_95 = vector.broadcast %jit3A_94 : f32 to vector<512x64xf32>
    %select_n3A_96 = arith.select %jit3A_93, %select_n3A, %broadcast_in_dim3A_95 : vector<512x64xf32>
    %mul3A_97 = arith.constant 2 : i32
    %mul3A_98 = arith.muli %mul3A_97, %get3A_70 : i32
    %add3A_99 = arith.constant 1 : i32
    %add3A_100 = arith.addi %mul3A_98, %add3A_99 : i32
    %eq3A_101 = vector.broadcast %add3A_100 : i32 to vector<512x64xi32>
    %eq3A_102 = arith.cmpi eq, %iota3A, %eq3A_101 : vector<512x64xi32>
    %jit3A_103 = arith.constant 0.000000e+00 : f32
    %broadcast_in_dim3A_104 = vector.broadcast %jit3A_103 : f32 to vector<512x64xf32>
    %select_n3A_105 = arith.select %eq3A_102, %get3A_65, %broadcast_in_dim3A_104 : vector<512x64xi1>, vector<512x64xf32>
    %jit3A_106 = arith.constant true
    %jit3A_107 = arith.constant 0.000000e+00 : f32
    %broadcast_in_dim3A_108 = vector.broadcast %jit3A_107 : f32 to vector<512x64xf32>
    %select_n3A_109 = arith.select %jit3A_106, %select_n3A_105, %broadcast_in_dim3A_108 : vector<512x64xf32>
    %reduce_sum3A = arith.constant dense<0.000000e+00> : vector<512xf32>
    %reduce_sum3A_110 = vector.multi_reduction <add>, %select_n3A_96, %reduce_sum3A [1] : vector<512x64xf32> to vector<512xf32>
    %broadcast_in_dim3A_111 = vector.shape_cast %reduce_sum3A_110 : vector<512xf32> to vector<512x1xf32>
    %reduce_sum3A_112 = arith.constant dense<0.000000e+00> : vector<512xf32>
    %reduce_sum3A_113 = vector.multi_reduction <add>, %select_n3A_109, %reduce_sum3A_112 [1] : vector<512x64xf32> to vector<512xf32>
    %broadcast_in_dim3A_114 = vector.shape_cast %reduce_sum3A_113 : vector<512xf32> to vector<512x1xf32>
    %slice3A = vector.extract_strided_slice %add3A_89 {offsets = [0, 0], sizes = [512, 64], strides = [1, 1]} : vector<512x128xf32> to vector<512x64xf32>
    %sub3A = arith.subf %get3A_68, %slice3A : vector<512x64xf32>
    %slice3A_115 = vector.extract_strided_slice %add3A_89 {offsets = [0, 64], sizes = [512, 64], strides = [1, 1]} : vector<512x128xf32> to vector<512x64xf32>
    %sub3A_116 = arith.subf %get3A_68, %slice3A_115 : vector<512x64xf32>
    %mul3A_117 = arith.mulf %sub3A, %sub3A : vector<512x64xf32>
    %mul3A_118 = vector.broadcast %broadcast_in_dim3A_111 : vector<512x1xf32> to vector<512x64xf32>
    %mul3A_119 = arith.mulf %mul3A_117, %mul3A_118 : vector<512x64xf32>
    %reduce_sum3A_120 = vector.shape_cast %mul3A_119 : vector<512x64xf32> to vector<1x512x64xf32>
    %reduce_sum3A_121 = arith.constant dense<0.000000e+00> : vector<1xf32>
    %reduce_sum3A_122 = vector.multi_reduction <add>, %reduce_sum3A_120, %reduce_sum3A_121 [1, 2] : vector<1x512x64xf32> to vector<1xf32>
    %reduce_sum3A_123 = vector.shape_cast %reduce_sum3A_122 : vector<1xf32> to vector<1x1x1xf32>
    %reduce_sum3A_124 = vector.extract %reduce_sum3A_123[0, 0, 0] : f32 from vector<1x1x1xf32>
    %mul3A_125 = arith.mulf %sub3A_116, %sub3A_116 : vector<512x64xf32>
    %mul3A_126 = vector.broadcast %broadcast_in_dim3A_114 : vector<512x1xf32> to vector<512x64xf32>
    %mul3A_127 = arith.mulf %mul3A_125, %mul3A_126 : vector<512x64xf32>
    %reduce_sum3A_128 = vector.shape_cast %mul3A_127 : vector<512x64xf32> to vector<1x512x64xf32>
    %reduce_sum3A_129 = arith.constant dense<0.000000e+00> : vector<1xf32>
    %reduce_sum3A_130 = vector.multi_reduction <add>, %reduce_sum3A_128, %reduce_sum3A_129 [1, 2] : vector<1x512x64xf32> to vector<1xf32>
    %reduce_sum3A_131 = vector.shape_cast %reduce_sum3A_130 : vector<1xf32> to vector<1x1x1xf32>
    %reduce_sum3A_132 = vector.extract %reduce_sum3A_131[0, 0, 0] : f32 from vector<1x1x1xf32>
    %add3A_133 = arith.addf %reduce_sum3A_124, %reduce_sum3A_132 : f32
    %add3A_134 = arith.constant 1 : i32
    %add3A_135 = arith.addi %get3A_70, %add3A_134 : i32
    %min3A = arith.constant 31 : i32
    %min3A_136 = arith.minsi %add3A_135, %min3A : i32
    %gt3A = arith.constant 1 : i32
    %gt3A_137 = arith.cmpi sgt, %get3A_72, %gt3A : i32
    %add3A_138 = arith.constant 1 : i32
    %add3A_139 = arith.addi %get3A_70, %add3A_138 : i32
    %lt3A = arith.constant 32 : i32
    %lt3A_140 = arith.cmpi slt, %add3A_139, %lt3A : i32
    %and3A = arith.andi %gt3A_137, %lt3A_140 : i1
    %mul3A_141 = arith.constant 2 : i32
    %mul3A_142 = arith.muli %min3A_136, %mul3A_141 : i32
    %mul3A_143 = arith.constant 64 : i32
    %mul3A_144 = arith.muli %mul3A_142, %mul3A_143 : i32
    %get3A_145 = arith.constant 0 : index
    %get3A_146 = arith.index_cast %mul3A_144 : i32 to index
    %get3A_147 = vector.load %arg10[%get3A_145, %get3A_146] : memref<2048x4096xbf16, #tpu.memory_space<vmem>>, vector<2048x128xbf16>
    %dot_general3A_148 = arith.constant dense<0.000000e+00> : vector<512x128xf32>
    %dot_general3A_149 = tpu.matmul %concatenate3A, %get3A_147, %dot_general3A_148 {dimension_numbers = #tpu.dot_dimension_numbers<[1], [0], [0], [1], [0, 0, 1, 1], [], []>, transpose_lhs_hint = false} : vector<512x2048xbf16>, vector<2048x128xbf16>, vector<512x128xf32> -> vector<512x128xf32>
    %mul3A_150 = arith.constant 2 : i32
    %mul3A_151 = arith.muli %min3A_136, %mul3A_150 : i32
    %mul3A_152 = arith.constant 64 : i32
    %mul3A_153 = arith.muli %mul3A_151, %mul3A_152 : i32
    %get3A_154 = arith.constant 0 : index
    %get3A_155 = arith.index_cast %mul3A_153 : i32 to index
    %get3A_156 = vector.load %arg11[%get3A_154, %get3A_155] : memref<1x4096xf32, #tpu.memory_space<vmem>>, vector<1x128xf32>
    %add3A_157 = vector.broadcast %get3A_156 : vector<1x128xf32> to vector<512x128xf32>
    %add3A_158 = arith.addf %dot_general3A_149, %add3A_157 : vector<512x128xf32>
    %mul3A_159 = arith.constant 2 : i32
    %mul3A_160 = arith.muli %mul3A_159, %min3A_136 : i32
    %eq3A_161 = vector.broadcast %mul3A_160 : i32 to vector<512x64xi32>
    %eq3A_162 = arith.cmpi eq, %iota3A, %eq3A_161 : vector<512x64xi32>
    %jit3A_163 = arith.constant 0.000000e+00 : f32
    %broadcast_in_dim3A_164 = vector.broadcast %jit3A_163 : f32 to vector<512x64xf32>
    %select_n3A_165 = arith.select %eq3A_162, %get3A_65, %broadcast_in_dim3A_164 : vector<512x64xi1>, vector<512x64xf32>
    %jit3A_166 = arith.constant 0.000000e+00 : f32
    %broadcast_in_dim3A_167 = vector.broadcast %jit3A_166 : f32 to vector<512x64xf32>
    %select_n3A_168 = arith.select %and3A, %select_n3A_165, %broadcast_in_dim3A_167 : vector<512x64xf32>
    %mul3A_169 = arith.constant 2 : i32
    %mul3A_170 = arith.muli %mul3A_169, %min3A_136 : i32
    %add3A_171 = arith.constant 1 : i32
    %add3A_172 = arith.addi %mul3A_170, %add3A_171 : i32
    %eq3A_173 = vector.broadcast %add3A_172 : i32 to vector<512x64xi32>
    %eq3A_174 = arith.cmpi eq, %iota3A, %eq3A_173 : vector<512x64xi32>
    %jit3A_175 = arith.constant 0.000000e+00 : f32
    %broadcast_in_dim3A_176 = vector.broadcast %jit3A_175 : f32 to vector<512x64xf32>
    %select_n3A_177 = arith.select %eq3A_174, %get3A_65, %broadcast_in_dim3A_176 : vector<512x64xi1>, vector<512x64xf32>
    %jit3A_178 = arith.constant 0.000000e+00 : f32
    %broadcast_in_dim3A_179 = vector.broadcast %jit3A_178 : f32 to vector<512x64xf32>
    %select_n3A_180 = arith.select %and3A, %select_n3A_177, %broadcast_in_dim3A_179 : vector<512x64xf32>
    %reduce_sum3A_181 = arith.constant dense<0.000000e+00> : vector<512xf32>
    %reduce_sum3A_182 = vector.multi_reduction <add>, %select_n3A_168, %reduce_sum3A_181 [1] : vector<512x64xf32> to vector<512xf32>
    %broadcast_in_dim3A_183 = vector.shape_cast %reduce_sum3A_182 : vector<512xf32> to vector<512x1xf32>
    %reduce_sum3A_184 = arith.constant dense<0.000000e+00> : vector<512xf32>
    %reduce_sum3A_185 = vector.multi_reduction <add>, %select_n3A_180, %reduce_sum3A_184 [1] : vector<512x64xf32> to vector<512xf32>
    %broadcast_in_dim3A_186 = vector.shape_cast %reduce_sum3A_185 : vector<512xf32> to vector<512x1xf32>
    %slice3A_187 = vector.extract_strided_slice %add3A_158 {offsets = [0, 0], sizes = [512, 64], strides = [1, 1]} : vector<512x128xf32> to vector<512x64xf32>
    %sub3A_188 = arith.subf %get3A_68, %slice3A_187 : vector<512x64xf32>
    %slice3A_189 = vector.extract_strided_slice %add3A_158 {offsets = [0, 64], sizes = [512, 64], strides = [1, 1]} : vector<512x128xf32> to vector<512x64xf32>
    %sub3A_190 = arith.subf %get3A_68, %slice3A_189 : vector<512x64xf32>
    %mul3A_191 = arith.mulf %sub3A_188, %sub3A_188 : vector<512x64xf32>
    %mul3A_192 = vector.broadcast %broadcast_in_dim3A_183 : vector<512x1xf32> to vector<512x64xf32>
    %mul3A_193 = arith.mulf %mul3A_191, %mul3A_192 : vector<512x64xf32>
    %reduce_sum3A_194 = vector.shape_cast %mul3A_193 : vector<512x64xf32> to vector<1x512x64xf32>
    %reduce_sum3A_195 = arith.constant dense<0.000000e+00> : vector<1xf32>
    %reduce_sum3A_196 = vector.multi_reduction <add>, %reduce_sum3A_194, %reduce_sum3A_195 [1, 2] : vector<1x512x64xf32> to vector<1xf32>
    %reduce_sum3A_197 = vector.shape_cast %reduce_sum3A_196 : vector<1xf32> to vector<1x1x1xf32>
    %reduce_sum3A_198 = vector.extract %reduce_sum3A_197[0, 0, 0] : f32 from vector<1x1x1xf32>
    %mul3A_199 = arith.mulf %sub3A_190, %sub3A_190 : vector<512x64xf32>
    %mul3A_200 = vector.broadcast %broadcast_in_dim3A_186 : vector<512x1xf32> to vector<512x64xf32>
    %mul3A_201 = arith.mulf %mul3A_199, %mul3A_200 : vector<512x64xf32>
    %reduce_sum3A_202 = vector.shape_cast %mul3A_201 : vector<512x64xf32> to vector<1x512x64xf32>
    %reduce_sum3A_203 = arith.constant dense<0.000000e+00> : vector<1xf32>
    %reduce_sum3A_204 = vector.multi_reduction <add>, %reduce_sum3A_202, %reduce_sum3A_203 [1, 2] : vector<1x512x64xf32> to vector<1xf32>
    %reduce_sum3A_205 = vector.shape_cast %reduce_sum3A_204 : vector<1xf32> to vector<1x1x1xf32>
    %reduce_sum3A_206 = vector.extract %reduce_sum3A_205[0, 0, 0] : f32 from vector<1x1x1xf32>
    %add3A_207 = arith.addf %reduce_sum3A_198, %reduce_sum3A_206 : f32
    %add3A_208 = arith.addf %add3A_133, %add3A_207 : f32
    %while3A = arith.constant 2 : i32
    %while3A_209 = arith.subi %get3A_72, %while3A : i32
    %while3A_210 = arith.addi %while3A, %while3A_209 : i32
    %while3A_211 = arith.constant 1 : i32
    %while3A_212 = arith.divsi %while3A_209, %while3A_211 : i32
    %while3A_213 = arith.muli %while3A_212, %while3A_211 : i32
    %while3A_214 = arith.addi %while3A, %while3A_213 : i32
    %while3A_215 = arith.constant 1 : i32
    %while3A_216 = scf.for %while3A_249 = %while3A to %while3A_214 step %while3A_215 iter_args(%while3A_250 = %add3A_208) -> (f32)  : i32 {
      %add3A_251 = arith.addi %get3A_70, %while3A_249 : i32
      %mul3A_252 = arith.constant 2 : i32
      %mul3A_253 = arith.muli %add3A_251, %mul3A_252 : i32
      %mul3A_254 = arith.constant 64 : i32
      %mul3A_255 = arith.muli %mul3A_253, %mul3A_254 : i32
      %get3A_256 = arith.constant 0 : index
      %get3A_257 = arith.index_cast %mul3A_255 : i32 to index
      %get3A_258 = vector.load %arg10[%get3A_256, %get3A_257] : memref<2048x4096xbf16, #tpu.memory_space<vmem>>, vector<2048x128xbf16>
      %dot_general3A_259 = arith.constant dense<0.000000e+00> : vector<512x128xf32>
      %dot_general3A_260 = tpu.matmul %concatenate3A, %get3A_258, %dot_general3A_259 {dimension_numbers = #tpu.dot_dimension_numbers<[1], [0], [0], [1], [0, 0, 1, 1], [], []>, transpose_lhs_hint = false} : vector<512x2048xbf16>, vector<2048x128xbf16>, vector<512x128xf32> -> vector<512x128xf32>
      %mul3A_261 = arith.constant 2 : i32
      %mul3A_262 = arith.muli %add3A_251, %mul3A_261 : i32
      %mul3A_263 = arith.constant 64 : i32
      %mul3A_264 = arith.muli %mul3A_262, %mul3A_263 : i32
      %get3A_265 = arith.constant 0 : index
      %get3A_266 = arith.index_cast %mul3A_264 : i32 to index
      %get3A_267 = vector.load %arg11[%get3A_265, %get3A_266] : memref<1x4096xf32, #tpu.memory_space<vmem>>, vector<1x128xf32>
      %add3A_268 = vector.broadcast %get3A_267 : vector<1x128xf32> to vector<512x128xf32>
      %add3A_269 = arith.addf %dot_general3A_260, %add3A_268 : vector<512x128xf32>
      %mul3A_270 = arith.constant 2 : i32
      %mul3A_271 = arith.muli %mul3A_270, %add3A_251 : i32
      %eq3A_272 = vector.broadcast %mul3A_271 : i32 to vector<512x64xi32>
      %eq3A_273 = arith.cmpi eq, %iota3A, %eq3A_272 : vector<512x64xi32>
      %jit3A_274 = arith.constant 0.000000e+00 : f32
      %broadcast_in_dim3A_275 = vector.broadcast %jit3A_274 : f32 to vector<512x64xf32>
      %select_n3A_276 = arith.select %eq3A_273, %get3A_65, %broadcast_in_dim3A_275 : vector<512x64xi1>, vector<512x64xf32>
      %jit3A_277 = arith.constant true
      %jit3A_278 = arith.constant 0.000000e+00 : f32
      %broadcast_in_dim3A_279 = vector.broadcast %jit3A_278 : f32 to vector<512x64xf32>
      %select_n3A_280 = arith.select %jit3A_277, %select_n3A_276, %broadcast_in_dim3A_279 : vector<512x64xf32>
      %mul3A_281 = arith.constant 2 : i32
      %mul3A_282 = arith.muli %mul3A_281, %add3A_251 : i32
      %add3A_283 = arith.constant 1 : i32
      %add3A_284 = arith.addi %mul3A_282, %add3A_283 : i32
      %eq3A_285 = vector.broadcast %add3A_284 : i32 to vector<512x64xi32>
      %eq3A_286 = arith.cmpi eq, %iota3A, %eq3A_285 : vector<512x64xi32>
      %jit3A_287 = arith.constant 0.000000e+00 : f32
      %broadcast_in_dim3A_288 = vector.broadcast %jit3A_287 : f32 to vector<512x64xf32>
      %select_n3A_289 = arith.select %eq3A_286, %get3A_65, %broadcast_in_dim3A_288 : vector<512x64xi1>, vector<512x64xf32>
      %jit3A_290 = arith.constant true
      %jit3A_291 = arith.constant 0.000000e+00 : f32
      %broadcast_in_dim3A_292 = vector.broadcast %jit3A_291 : f32 to vector<512x64xf32>
      %select_n3A_293 = arith.select %jit3A_290, %select_n3A_289, %broadcast_in_dim3A_292 : vector<512x64xf32>
      %reduce_sum3A_294 = arith.constant dense<0.000000e+00> : vector<512xf32>
      %reduce_sum3A_295 = vector.multi_reduction <add>, %select_n3A_280, %reduce_sum3A_294 [1] : vector<512x64xf32> to vector<512xf32>
      %broadcast_in_dim3A_296 = vector.shape_cast %reduce_sum3A_295 : vector<512xf32> to vector<512x1xf32>
      %reduce_sum3A_297 = arith.constant dense<0.000000e+00> : vector<512xf32>
      %reduce_sum3A_298 = vector.multi_reduction <add>, %select_n3A_293, %reduce_sum3A_297 [1] : vector<512x64xf32> to vector<512xf32>
      %broadcast_in_dim3A_299 = vector.shape_cast %reduce_sum3A_298 : vector<512xf32> to vector<512x1xf32>
      %slice3A_300 = vector.extract_strided_slice %add3A_269 {offsets = [0, 0], sizes = [512, 64], strides = [1, 1]} : vector<512x128xf32> to vector<512x64xf32>
      %sub3A_301 = arith.subf %get3A_68, %slice3A_300 : vector<512x64xf32>
      %slice3A_302 = vector.extract_strided_slice %add3A_269 {offsets = [0, 64], sizes = [512, 64], strides = [1, 1]} : vector<512x128xf32> to vector<512x64xf32>
      %sub3A_303 = arith.subf %get3A_68, %slice3A_302 : vector<512x64xf32>
      %mul3A_304 = arith.mulf %sub3A_301, %sub3A_301 : vector<512x64xf32>
      %mul3A_305 = vector.broadcast %broadcast_in_dim3A_296 : vector<512x1xf32> to vector<512x64xf32>
      %mul3A_306 = arith.mulf %mul3A_304, %mul3A_305 : vector<512x64xf32>
      %reduce_sum3A_307 = vector.shape_cast %mul3A_306 : vector<512x64xf32> to vector<1x512x64xf32>
      %reduce_sum3A_308 = arith.constant dense<0.000000e+00> : vector<1xf32>
      %reduce_sum3A_309 = vector.multi_reduction <add>, %reduce_sum3A_307, %reduce_sum3A_308 [1, 2] : vector<1x512x64xf32> to vector<1xf32>
      %reduce_sum3A_310 = vector.shape_cast %reduce_sum3A_309 : vector<1xf32> to vector<1x1x1xf32>
      %reduce_sum3A_311 = vector.extract %reduce_sum3A_310[0, 0, 0] : f32 from vector<1x1x1xf32>
      %mul3A_312 = arith.mulf %sub3A_303, %sub3A_303 : vector<512x64xf32>
      %mul3A_313 = vector.broadcast %broadcast_in_dim3A_299 : vector<512x1xf32> to vector<512x64xf32>
      %mul3A_314 = arith.mulf %mul3A_312, %mul3A_313 : vector<512x64xf32>
      %reduce_sum3A_315 = vector.shape_cast %mul3A_314 : vector<512x64xf32> to vector<1x512x64xf32>
      %reduce_sum3A_316 = arith.constant dense<0.000000e+00> : vector<1xf32>
      %reduce_sum3A_317 = vector.multi_reduction <add>, %reduce_sum3A_315, %reduce_sum3A_316 [1, 2] : vector<1x512x64xf32> to vector<1xf32>
      %reduce_sum3A_318 = vector.shape_cast %reduce_sum3A_317 : vector<1xf32> to vector<1x1x1xf32>
      %reduce_sum3A_319 = vector.extract %reduce_sum3A_318[0, 0, 0] : f32 from vector<1x1x1xf32>
      %add3A_320 = arith.addf %reduce_sum3A_311, %reduce_sum3A_319 : f32
      %add3A_321 = arith.addf %while3A_250, %add3A_320 : f32
      scf.yield %add3A_321 : f32
    }
    %while3A_217 = arith.constant 1 : i32
    %while3A_218 = scf.for %while3A_249 = %while3A_214 to %while3A_210 step %while3A_217 iter_args(%while3A_250 = %while3A_216) -> (f32)  : i32 {
      %add3A_251 = arith.addi %get3A_70, %while3A_249 : i32
      %mul3A_252 = arith.constant 2 : i32
      %mul3A_253 = arith.muli %add3A_251, %mul3A_252 : i32
      %mul3A_254 = arith.constant 64 : i32
      %mul3A_255 = arith.muli %mul3A_253, %mul3A_254 : i32
      %get3A_256 = arith.constant 0 : index
      %get3A_257 = arith.index_cast %mul3A_255 : i32 to index
      %get3A_258 = vector.load %arg10[%get3A_256, %get3A_257] : memref<2048x4096xbf16, #tpu.memory_space<vmem>>, vector<2048x128xbf16>
      %dot_general3A_259 = arith.constant dense<0.000000e+00> : vector<512x128xf32>
      %dot_general3A_260 = tpu.matmul %concatenate3A, %get3A_258, %dot_general3A_259 {dimension_numbers = #tpu.dot_dimension_numbers<[1], [0], [0], [1], [0, 0, 1, 1], [], []>, transpose_lhs_hint = false} : vector<512x2048xbf16>, vector<2048x128xbf16>, vector<512x128xf32> -> vector<512x128xf32>
      %mul3A_261 = arith.constant 2 : i32
      %mul3A_262 = arith.muli %add3A_251, %mul3A_261 : i32
      %mul3A_263 = arith.constant 64 : i32
      %mul3A_264 = arith.muli %mul3A_262, %mul3A_263 : i32
      %get3A_265 = arith.constant 0 : index
      %get3A_266 = arith.index_cast %mul3A_264 : i32 to index
      %get3A_267 = vector.load %arg11[%get3A_265, %get3A_266] : memref<1x4096xf32, #tpu.memory_space<vmem>>, vector<1x128xf32>
      %add3A_268 = vector.broadcast %get3A_267 : vector<1x128xf32> to vector<512x128xf32>
      %add3A_269 = arith.addf %dot_general3A_260, %add3A_268 : vector<512x128xf32>
      %mul3A_270 = arith.constant 2 : i32
      %mul3A_271 = arith.muli %mul3A_270, %add3A_251 : i32
      %eq3A_272 = vector.broadcast %mul3A_271 : i32 to vector<512x64xi32>
      %eq3A_273 = arith.cmpi eq, %iota3A, %eq3A_272 : vector<512x64xi32>
      %jit3A_274 = arith.constant 0.000000e+00 : f32
      %broadcast_in_dim3A_275 = vector.broadcast %jit3A_274 : f32 to vector<512x64xf32>
      %select_n3A_276 = arith.select %eq3A_273, %get3A_65, %broadcast_in_dim3A_275 : vector<512x64xi1>, vector<512x64xf32>
      %jit3A_277 = arith.constant true
      %jit3A_278 = arith.constant 0.000000e+00 : f32
      %broadcast_in_dim3A_279 = vector.broadcast %jit3A_278 : f32 to vector<512x64xf32>
      %select_n3A_280 = arith.select %jit3A_277, %select_n3A_276, %broadcast_in_dim3A_279 : vector<512x64xf32>
      %mul3A_281 = arith.constant 2 : i32
      %mul3A_282 = arith.muli %mul3A_281, %add3A_251 : i32
      %add3A_283 = arith.constant 1 : i32
      %add3A_284 = arith.addi %mul3A_282, %add3A_283 : i32
      %eq3A_285 = vector.broadcast %add3A_284 : i32 to vector<512x64xi32>
      %eq3A_286 = arith.cmpi eq, %iota3A, %eq3A_285 : vector<512x64xi32>
      %jit3A_287 = arith.constant 0.000000e+00 : f32
      %broadcast_in_dim3A_288 = vector.broadcast %jit3A_287 : f32 to vector<512x64xf32>
      %select_n3A_289 = arith.select %eq3A_286, %get3A_65, %broadcast_in_dim3A_288 : vector<512x64xi1>, vector<512x64xf32>
      %jit3A_290 = arith.constant true
      %jit3A_291 = arith.constant 0.000000e+00 : f32
      %broadcast_in_dim3A_292 = vector.broadcast %jit3A_291 : f32 to vector<512x64xf32>
      %select_n3A_293 = arith.select %jit3A_290, %select_n3A_289, %broadcast_in_dim3A_292 : vector<512x64xf32>
      %reduce_sum3A_294 = arith.constant dense<0.000000e+00> : vector<512xf32>
      %reduce_sum3A_295 = vector.multi_reduction <add>, %select_n3A_280, %reduce_sum3A_294 [1] : vector<512x64xf32> to vector<512xf32>
      %broadcast_in_dim3A_296 = vector.shape_cast %reduce_sum3A_295 : vector<512xf32> to vector<512x1xf32>
      %reduce_sum3A_297 = arith.constant dense<0.000000e+00> : vector<512xf32>
      %reduce_sum3A_298 = vector.multi_reduction <add>, %select_n3A_293, %reduce_sum3A_297 [1] : vector<512x64xf32> to vector<512xf32>
      %broadcast_in_dim3A_299 = vector.shape_cast %reduce_sum3A_298 : vector<512xf32> to vector<512x1xf32>
      %slice3A_300 = vector.extract_strided_slice %add3A_269 {offsets = [0, 0], sizes = [512, 64], strides = [1, 1]} : vector<512x128xf32> to vector<512x64xf32>
      %sub3A_301 = arith.subf %get3A_68, %slice3A_300 : vector<512x64xf32>
      %slice3A_302 = vector.extract_strided_slice %add3A_269 {offsets = [0, 64], sizes = [512, 64], strides = [1, 1]} : vector<512x128xf32> to vector<512x64xf32>
      %sub3A_303 = arith.subf %get3A_68, %slice3A_302 : vector<512x64xf32>
      %mul3A_304 = arith.mulf %sub3A_301, %sub3A_301 : vector<512x64xf32>
      %mul3A_305 = vector.broadcast %broadcast_in_dim3A_296 : vector<512x1xf32> to vector<512x64xf32>
      %mul3A_306 = arith.mulf %mul3A_304, %mul3A_305 : vector<512x64xf32>
      %reduce_sum3A_307 = vector.shape_cast %mul3A_306 : vector<512x64xf32> to vector<1x512x64xf32>
      %reduce_sum3A_308 = arith.constant dense<0.000000e+00> : vector<1xf32>
      %reduce_sum3A_309 = vector.multi_reduction <add>, %reduce_sum3A_307, %reduce_sum3A_308 [1, 2] : vector<1x512x64xf32> to vector<1xf32>
      %reduce_sum3A_310 = vector.shape_cast %reduce_sum3A_309 : vector<1xf32> to vector<1x1x1xf32>
      %reduce_sum3A_311 = vector.extract %reduce_sum3A_310[0, 0, 0] : f32 from vector<1x1x1xf32>
      %mul3A_312 = arith.mulf %sub3A_303, %sub3A_303 : vector<512x64xf32>
      %mul3A_313 = vector.broadcast %broadcast_in_dim3A_299 : vector<512x1xf32> to vector<512x64xf32>
      %mul3A_314 = arith.mulf %mul3A_312, %mul3A_313 : vector<512x64xf32>
      %reduce_sum3A_315 = vector.shape_cast %mul3A_314 : vector<512x64xf32> to vector<1x512x64xf32>
      %reduce_sum3A_316 = arith.constant dense<0.000000e+00> : vector<1xf32>
      %reduce_sum3A_317 = vector.multi_reduction <add>, %reduce_sum3A_315, %reduce_sum3A_316 [1, 2] : vector<1x512x64xf32> to vector<1xf32>
      %reduce_sum3A_318 = vector.shape_cast %reduce_sum3A_317 : vector<1xf32> to vector<1x1x1xf32>
      %reduce_sum3A_319 = vector.extract %reduce_sum3A_318[0, 0, 0] : f32 from vector<1x1x1xf32>
      %add3A_320 = arith.addf %reduce_sum3A_311, %reduce_sum3A_319 : f32
      %add3A_321 = arith.addf %while3A_250, %add3A_320 : f32
      scf.yield %add3A_321 : f32
    }
    %reduce_max3A = arith.constant dense<0xFF800000> : vector<512xf32>
    %reduce_max3A_219 = vector.multi_reduction <maximumf>, %add3A_62, %reduce_max3A [1] : vector<512x64xf32> to vector<512xf32>
    %broadcast_in_dim3A_220 = vector.shape_cast %reduce_max3A_219 : vector<512xf32> to vector<512x1xf32>
    %squeeze3A = vector.shape_cast %broadcast_in_dim3A_220 : vector<512x1xf32> to vector<512xf32>
    %sub3A_221 = vector.broadcast %broadcast_in_dim3A_220 : vector<512x1xf32> to vector<512x64xf32>
    %sub3A_222 = arith.subf %add3A_62, %sub3A_221 : vector<512x64xf32>
    %exp3A = math.exp %sub3A_222 : vector<512x64xf32>
    %reduce_sum3A_223 = arith.constant dense<0.000000e+00> : vector<512xf32>
    %reduce_sum3A_224 = vector.multi_reduction <add>, %exp3A, %reduce_sum3A_223 [1] : vector<512x64xf32> to vector<512xf32>
    %log3A = math.log %reduce_sum3A_224 : vector<512xf32>
    %add3A_225 = arith.addf %squeeze3A, %log3A : vector<512xf32>
    %mul3A_226 = arith.mulf %add3A_62, %get3A_65 : vector<512x64xf32>
    %reduce_sum3A_227 = arith.constant dense<0.000000e+00> : vector<512xf32>
    %reduce_sum3A_228 = vector.multi_reduction <add>, %mul3A_226, %reduce_sum3A_227 [1] : vector<512x64xf32> to vector<512xf32>
    %sub3A_229 = arith.subf %add3A_225, %reduce_sum3A_228 : vector<512xf32>
    %reduce_sum3A_230 = vector.shape_cast %sub3A_229 : vector<512xf32> to vector<1x512xf32>
    %reduce_sum3A_231 = arith.constant dense<0.000000e+00> : vector<1xf32>
    %reduce_sum3A_232 = vector.multi_reduction <add>, %reduce_sum3A_230, %reduce_sum3A_231 [1] : vector<1x512xf32> to vector<1xf32>
    %reduce_sum3A_233 = vector.shape_cast %reduce_sum3A_232 : vector<1xf32> to vector<1x1xf32>
    %reduce_sum3A_234 = vector.extract %reduce_sum3A_233[0, 0] : f32 from vector<1x1xf32>
    %broadcast_in_dim3A_235 = vector.broadcast %reduce_sum3A_234 : f32 to vector<1x1xf32>
    %broadcast_in_dim3A_236 = vector.broadcast %while3A_218 : f32 to vector<1x1xf32>
    %concatenate3A_237 = tpu.concatenate %broadcast_in_dim3A_235, %broadcast_in_dim3A_236 in 1 : vector<1x1xf32>, vector<1x1xf32> -> vector<1x2xf32>
    %eq3A_238 = arith.constant 0 : i32
    %eq3A_239 = arith.cmpi eq, %arg0, %eq3A_238 : i32
    %broadcast_in_dim3A_240 = arith.constant 0.000000e+00 : f32
    %broadcast_in_dim3A_241 = vector.broadcast %broadcast_in_dim3A_240 : f32 to vector<1x2xf32>
    %get3A_242 = arith.constant 0 : index
    %get3A_243 = arith.constant 0 : index
    %get3A_244 = vector.load %arg13[%get3A_242, %get3A_243] : memref<1x2xf32, #tpu.memory_space<vmem>>, vector<1x2xf32>
    %select_n3A_245 = arith.select %eq3A_239, %broadcast_in_dim3A_241, %get3A_244 : vector<1x2xf32>
    %add3A_246 = arith.addf %select_n3A_245, %concatenate3A_237 : vector<1x2xf32>
    %swap3A = arith.constant 0 : index
    %swap3A_247 = arith.constant 0 : index
    %swap3A_248 = vector.load %arg13[%swap3A, %swap3A_247] : memref<1x2xf32, #tpu.memory_space<vmem>>, vector<1x2xf32>
    tpu.vector_store %arg13[%swap3A, %swap3A_247], %add3A_246 {strides = array<i32>} : memref<1x2xf32, #tpu.memory_space<vmem>>, vector<1x2xf32>,
    return
  }
  func.func @transform_0(%arg0: i32, %arg1: memref<32xi32, #tpu.memory_space<smem>>, %arg2: memref<32xi32, #tpu.memory_space<smem>>) -> (i32, i32) {
    %c0_i32 = arith.constant 0 : i32
    %c0_i32_0 = arith.constant 0 : i32
    return %arg0, %c0_i32 : i32, i32
  }
  func.func @transform_1(%arg0: i32, %arg1: memref<32xi32, #tpu.memory_space<smem>>, %arg2: memref<32xi32, #tpu.memory_space<smem>>) -> (i32, i32) {
    %c0_i32 = arith.constant 0 : i32
    %c0_i32_0 = arith.constant 0 : i32
    %c0_i32_1 = arith.constant 0 : i32
    return %c0_i32, %c0_i32_0 : i32, i32
  }
  func.func @transform_2(%arg0: i32, %arg1: memref<32xi32, #tpu.memory_space<smem>>, %arg2: memref<32xi32, #tpu.memory_space<smem>>) -> (i32, i32) {
    %c0_i32 = arith.constant 0 : i32
    %c0_i32_0 = arith.constant 0 : i32
    %c0_i32_1 = arith.constant 0 : i32
    return %c0_i32, %c0_i32_0 : i32, i32
  }
  func.func @transform_3(%arg0: i32, %arg1: memref<32xi32, #tpu.memory_space<smem>>, %arg2: memref<32xi32, #tpu.memory_space<smem>>) -> (i32, i32) {
    %c0_i32 = arith.constant 0 : i32
    %c0_i32_0 = arith.constant 0 : i32
    %c0_i32_1 = arith.constant 0 : i32
    return %c0_i32, %c0_i32_0 : i32, i32
  }
  func.func @transform_4(%arg0: i32, %arg1: memref<32xi32, #tpu.memory_space<smem>>, %arg2: memref<32xi32, #tpu.memory_space<smem>>) -> (i32, i32) {
    %c0_i32 = arith.constant 0 : i32
    %c0_i32_0 = arith.constant 0 : i32
    %c0_i32_1 = arith.constant 0 : i32
    return %c0_i32, %c0_i32_0 : i32, i32
  }
  func.func @transform_5(%arg0: i32, %arg1: memref<32xi32, #tpu.memory_space<smem>>, %arg2: memref<32xi32, #tpu.memory_space<smem>>) -> (i32, i32) {
    %c0_i32 = arith.constant 0 : i32
    %c0_i32_0 = arith.constant 0 : i32
    %c0_i32_1 = arith.constant 0 : i32
    return %c0_i32, %c0_i32_0 : i32, i32
  }
  func.func @transform_6(%arg0: i32, %arg1: memref<32xi32, #tpu.memory_space<smem>>, %arg2: memref<32xi32, #tpu.memory_space<smem>>) -> (i32, i32) {
    %c0_i32 = arith.constant 0 : i32
    %c0_i32_0 = arith.constant 0 : i32
    %c0_i32_1 = arith.constant 0 : i32
    return %c0_i32, %c0_i32_0 : i32, i32
  }
  func.func @transform_7(%arg0: i32, %arg1: memref<32xi32, #tpu.memory_space<smem>>, %arg2: memref<32xi32, #tpu.memory_space<smem>>) -> (i32, i32) {
    %c0_i32 = arith.constant 0 : i32
    %c0_i32_0 = arith.constant 0 : i32
    %c0_i32_1 = arith.constant 0 : i32
    return %c0_i32, %c0_i32_0 : i32, i32
  }
  func.func @transform_8(%arg0: i32, %arg1: memref<32xi32, #tpu.memory_space<smem>>, %arg2: memref<32xi32, #tpu.memory_space<smem>>) -> (i32, i32) {
    %c0_i32 = arith.constant 0 : i32
    %c0_i32_0 = arith.constant 0 : i32
    %c0_i32_1 = arith.constant 0 : i32
    return %c0_i32, %c0_i32_0 : i32, i32
  }
  func.func @transform_9(%arg0: i32, %arg1: memref<32xi32, #tpu.memory_space<smem>>, %arg2: memref<32xi32, #tpu.memory_space<smem>>) -> (i32, i32) {
    %c0_i32 = arith.constant 0 : i32
    %c0_i32_0 = arith.constant 0 : i32
    return %arg0, %c0_i32 : i32, i32
  }
  func.func @transform_10(%arg0: i32, %arg1: memref<32xi32, #tpu.memory_space<smem>>, %arg2: memref<32xi32, #tpu.memory_space<smem>>) -> (i32, i32) {
    %c0_i32 = arith.constant 0 : i32
    %c0_i32_0 = arith.constant 0 : i32
    %c0_i32_1 = arith.constant 0 : i32
    return %c0_i32, %c0_i32_0 : i32, i32
  }
}

</mosaic_0001>

<sc_bundles>
// kernel: kernel.5.cloned.1.call-start
scs
__scs_entry_jumppad:
0x0: {  	(pc) =	sbr.rel $0x88, $3  }
0x1: {  	(tag) =	ssettag $0x0;
	lr =	simm.s32 $0x1  }
0x2: {  	[smem:$0x3F98] =	sst lr;
	_ =	strace $0xD0000000  }
0x3: {  	_ = 	snop  }
0x4: {  	_ = 	snop  }
0x5: {  	_ = 	snop  }
0x6: {  	_ = 	snop  }
0x7: {  	_ = 	snop  }
__scs_overlays_trampoline_lowered:
0x8: {  	[smem:$0x3FA7] =	sst s0  }
0x9: {  	[smem:$0x3FA8] =	sst s1  }
0xa: {  	[smem:$0x3FA9] =	sst s2  }
0xb: {  	[smem:$0x3FAA] =	sst s3  }
0xc: {  	[smem:$0x3FAB] =	sst s4  }
0xd: {  	[smem:$0x3FAC] =	sst s5  }
0xe: {  	[smem:$0x3FAD] =	sst s6  }
0xf: {  	[smem:$0x3FAE] =	sst s7  }
0x10: {  	[smem:$0x3FAF] =	sst s8  }
0x11: {  	[smem:$0x3FB0] =	sst s9;
	s0 =	simm.s32 @!p0 $0x0  }
0x12: {  	s1 =	sld [smem:$0x3F96];
	s0 =	simm.s32 @p0 $0x1  }
0x13: {  	[smem:$0x3FB1] =	sst s0;
	s0 =	simm.s32 @!p1 $0x0  }
0x14: {  	s2 =	sld [smem:$0x3F95];
	s0 =	simm.s32 @p1 $0x1  }
0x15: {  	[smem:$0x3FB2] =	sst s0;
	s0 =	simm.s32 @!p2 $0x0  }
0x16: {  	s3 =	sld [smem:$0x3FDB];
	s0 =	simm.s32 @p2 $0x1  }
0x17: {  	s4 =	simm.s32 $0x1BF5;
	[smem:$0x3FB4] =	sst s0  }
0x18: {  	s0 =	sld [smem:$0x3F97];
	_ =	swait.ge [sflag:s4], $0x0  }
0x19: {  	s7 =	sld [smem:$0x3F98]  }
0x1a: {  	s8 =	sadd.s32 $0xFFFFE003, lr  }
0x1b: {  	s9 =	sadd.s32 $0xFFFFFEF7, lr;
	s5 =	simm.s32 $0xFFFFFFFF;
	p2 =	slt.u32 s8, $0xFFFFF086  }
0x1c: {  	p1 =	slt.u32 s9, $0xF7A;
	s5 =	simm.s32 @!p2 $0x0  }
0x1d: {  	s5 =	simm.s32 @p1 $0x1;
	p0 =	seq.s32 s7, s2  }
0x1e: {  	s7 =	smul.u32 @!p0 $0xF7A, s2;
	p2 =	seq.s32 @!p0 s5, $0x0  }
0x1f: {  	s9 =	smul.u32 $0xF7A, s1;
	s8 =	simm.s32 @!p0 $0x1BF5;
	p2 =	por !p2, p0  }
0x20: {  	[sflag:s8] =	ssyncset.s32 @!p0 $0xFFFFF086;
	s6 =	sadd.s32 @!p0 s3, s7;
	s7 =	simm.s32 @!p0 $0x108  }
0x21: {  	s3 =	sadd.s32 s3, s9;
	s6 =	sadd.s32 @!p0 $0x88, s6;
	s7 =	simm.s32 @p2 $0x1082  }
0x22: {  	[simem:s7], [sflag:s8] =	dma.local @!p0 [hbm:s6], $0xF7A  }
0x23: {  	s9 =	sor.u32 $0xD0000000, s2;
	s6 =	simm.s32 $0x108;
	_ =	swait.ge @!p0 [sflag:s8], $0x0  }
0x24: {  	s3 =	sadd.s32 $0x88, s3;
	s6 =	simm.s32 @!p1 $0x1082;
	[sflag:s4] =	ssyncset.s32 $0xFFFFF086  }
0x25: {  	[simem:s6], [sflag:s4] =	dma.local [hbm:s3], $0xF7A  }
0x26: {  	[smem:$0x3F98] =	sst s1;
	(tag) =	ssettag s2;
	_ =	strace s9  }
0x27: {  	s1 =	sld [smem:$0x3FA8]  }
0x28: {  	s2 =	sld [smem:$0x3FA9]  }
0x29: {  	s4 =	sld [smem:$0x3FAB]  }
0x2a: {  	p0 =	seq.s32 s5, $0x0;
	s5 =	sld [smem:$0x3FAC]  }
0x2b: {  	s6 =	sld [smem:$0x3FAD]  }
0x2c: {  	s7 =	sld [smem:$0x3FAE]  }
0x2d: {  	s3 =	simm.s32 $0x108;
	s8 =	sld [smem:$0x3FAF]  }
0x2e: {  	s3 =	simm.s32 @!p0 $0x1082;
	s9 =	sld [smem:$0x3FB0]  }
0x2f: {  	lr =	sadd.s32 s0, s3;
	s0 =	sld [smem:$0x3FA7]  }
0x30: {  	s3 =	sld [smem:$0x3FAA]  }
0x31: {  	[smem:$0x3FB3] =	sst s10  }
0x32: {  	s10 =	sld [smem:$0x3FB1];
	_ =	sdelay $0x3  }
0x33: {  	p0 =	seq.s32 s10, $0x1;
	s10 =	sld [smem:$0x3FB3];
	_ =	sdelay $0x3  }
0x34: {  	[smem:$0x3FB3] =	sst s10  }
0x35: {  	s10 =	sld [smem:$0x3FB2];
	_ =	sdelay $0x3  }
0x36: {  	p1 =	seq.s32 s10, $0x1;
	s10 =	sld [smem:$0x3FB3];
	_ =	sdelay $0x3  }
0x37: {  	[smem:$0x3FB3] =	sst s10  }
0x38: {  	s10 =	sld [smem:$0x3FB4]  }
0x39: {  	_ = 	snop;
	(pc) =	sbr.ind lr, $3  }
0x3a: {  	_ = 	snop  }
0x3b: {  	_ = 	snop  }
0x3c: {  	p2 =	seq.s32 s10, $0x1;
	s10 =	sld [smem:$0x3FB3]  }
0x3d: {  	_ =	shalt  }
0x3e: {  	_ =	shalt  }
0x3f: {  	_ =	shalt  }
0x40: {  	_ =	shalt  }
0x41: {  	_ =	shalt  }
0x42: {  	_ =	shalt  }
0x43: {  	_ =	shalt  }
0x44: {  	_ =	shalt  }
0x45: {  	_ =	shalt  }
0x46: {  	_ =	shalt  }
0x47: {  	_ =	shalt  }
0x48: {  	_ =	shalt  }
0x49: {  	_ =	shalt  }
0x4a: {  	_ =	shalt  }
0x4b: {  	_ =	shalt  }
0x4c: {  	_ =	shalt  }
0x4d: {  	_ =	shalt  }
0x4e: {  	_ =	shalt  }
0x4f: {  	_ =	shalt  }
0x50: {  	_ =	shalt  }
0x51: {  	_ =	shalt  }
0x52: {  	_ =	shalt  }
0x53: {  	_ =	shalt  }
0x54: {  	_ =	shalt  }
0x55: {  	_ =	shalt  }
0x56: {  	_ =	shalt  }
0x57: {  	_ =	shalt  }
0x58: {  	_ =	shalt  }
0x59: {  	_ =	shalt  }
0x5a: {  	_ =	shalt  }
0x5b: {  	_ =	shalt  }
0x5c: {  	_ =	shalt  }
0x5d: {  	_ =	shalt  }
0x5e: {  	_ =	shalt  }
0x5f: {  	_ =	shalt  }
0x60: {  	_ =	shalt  }
0x61: {  	_ =	shalt  }
0x62: {  	_ =	shalt  }
0x63: {  	_ =	shalt  }
0x64: {  	_ =	shalt  }
0x65: {  	_ =	shalt  }
0x66: {  	_ =	shalt  }
0x67: {  	_ =	shalt  }
0x68: {  	_ =	shalt  }
0x69: {  	_ =	shalt  }
0x6a: {  	_ =	shalt  }
0x6b: {  	_ =	shalt  }
0x6c: {  	_ =	shalt  }
0x6d: {  	_ =	shalt  }
0x6e: {  	_ =	shalt  }
0x6f: {  	_ =	shalt  }
0x70: {  	_ =	shalt  }
0x71: {  	_ =	shalt  }
0x72: {  	_ =	shalt  }
0x73: {  	_ =	shalt  }
0x74: {  	_ =	shalt  }
0x75: {  	_ =	shalt  }
0x76: {  	_ =	shalt  }
0x77: {  	_ =	shalt  }
0x78: {  	_ =	shalt  }
0x79: {  	_ =	shalt  }
0x7a: {  	_ =	shalt  }
0x7b: {  	_ =	shalt  }
0x7c: {  	_ =	shalt  }
0x7d: {  	_ =	shalt  }
0x7e: {  	_ =	shalt  }
0x7f: {  	_ =	shalt  }
0x80: {  	_ =	shalt  }
0x81: {  	_ =	shalt  }
0x82: {  	_ =	shalt  }
0x83: {  	_ =	shalt  }
0x84: {  	_ =	shalt  }
0x85: {  	_ =	shalt  }
0x86: {  	_ =	shalt  }
0x87: {  	_ =	shalt  }
.Lfunc_end0:
.L_simem_size_0:
called_computation_lowered:
.L_overlay_start_0:
0x88: {  	s2 =	sld [smem:$0x3FD9]  }
0x89: {  	s3 =	sld [smem:$0x3FFE];
	_ =	sdelay $0x1  }
0x8a: {  	s1 =	srdreg.scid  }
0x8b: {  	s0 =	sand.u32 $0x1, s1  }
0x8c: {  	s17 =	sshll.u32 s0, $0xA;
	s2 =	sadd.s32 s3, s2  }
0x8d: {  	s2 =	sadd.s32 s2, s17  }
0x8e: {  	[smem:$0x3FBF] =	sst s2  }
0x8f: {  	_ = 	snop  }
0x90: {  	s2 =	sld [smem:$0x3FC9];
	(tm) =	ssettm $0x1  }
0x91: {  	s18 =	sld [smem:$0x3FFB];
	_ =	sdelay $0x3  }
0x92: {  	_ =	strace s18  }
0x93: {  	s3 =	sld [smem:$0x3FFC];
	_ =	sdelay $0x3  }
0x94: {  	_ =	strace s3  }
0x95: {  	s3 =	sld [smem:$0x3FFD];
	_ =	sdelay $0x3  }
0x96: {  	_ =	strace s3  }
0x97: {  	_ =	strace $0x8FFFFFFF  }
0x98: {  	s19 =	sld [smem:$0x3FDB];
	_ =	sdelay $0x1  }
0x99: {  	s4 =	simm.s32 $_scs_section_size  }
0x9a: {  	s5 =	simm.s32 $_size__tile_overlayer_lowered;
	s6 =	simm.s32 $_tile_overlayer_lowered  }
0x9b: {  	s22 =	simm.s32 $0x1BFF;
	s21 =	sshll.u32 s6, $0x1;
	s3 =	sadd.s32 s4, s19  }
0x9c: {  	s7 =	simm.s32 $0x0;
	s20 =	sshll.u32 s5, $0x1;
	s5 =	sadd.s32 s21, s3  }
0x9d: {  	[timem:s7], [sflag:s22] =	dma.local [hbm:s5], s20  }
0x9e: {  	_ =	swait.ge [sflag:s22], s20  }
0x9f: {  	s4 =	ssub.s32 $0x0, s20;
	[sflag:s22] =	ssyncset.done $0x0  }
0xa0: {  	[sflag:s22] =	ssyncadd.s32 s4;
	_ =	sdelay $0x1  }
0xa1: {  	s23 =	simm.s32 $0x1B8B  }
0xa2: {  	_ =	swait.ge [sflag:s23], $0x1  }
0xa3: {  	[sflag:s23] =	ssyncset.done $0x0  }
0xa4: {  	s25 =	simm.s32 $0x1B8E;
	s24 =	sld [smem:$0x3FFE];
	[sflag:s23] =	ssyncadd.s32 $0xFFFFFFFF  }
0xa5: {  	s26 =	simm.s32 $execute0_lowered;
	[smem:$0x3FD2] =	sst s25  }
0xa6: {  	s5 =	sshll.u32 s26, $0x1;
	_ =	strace $0x80000046;
	[dreg:$0x1] =	wrdreg $0xFFFFFFFF  }
0xa7: {  	s28 =	simm.s32 $_size_execute0_lowered;
	s3 =	sadd.s32 s3, s5;
	[dreg:$0x0] =	wrdreg $0x0  }
0xa8: {  	s5 =	sshll.u32 s28, $0x1;
	[dreg:$0x2] =	wrdreg s3  }
0xa9: {  	[dreg:$0x3] =	wrdreg s5  }
0xaa: {  	[dreg:$0x4] =	wrdreg $0xC0  }
0xab: {  	_ =	task [dreg:s7], $0x5FFFF  }
0xac: {  	[dreg:$0x1] =	wrdreg $0xFFFFFFFF  }
0xad: {  	[dreg:$0x0] =	wrdreg $0x60  }
0xae: {  	[dreg:$0x2] =	wrdreg s2  }
0xaf: {  	[dreg:$0x3] =	wrdreg s24  }
0xb0: {  	[dreg:$0x4] =	wrdreg $0x9  }
0xb1: {  	_ =	task.clear_ibuf [dreg:s7], $0x5FFFF;
	_ =	strace $0x90000046  }
0xb2: {  	s29 =	simm.s32 $0x9;
	_ =	strace $0x80000048  }
0xb3: {  	_ =	swait.ge [sflag:s29], $0x1  }
0xb4: {  	[sflag:s29] =	ssyncadd.s32 $0xFFFFFFFF  }
0xb5: {  	_ =	strace $0x90000048  }
0xb6: {  	_ =	sfence  }
0xb7: {  	s30 =	sld [smem:$0x0];
	_ =	sdelay $0x2  }
0xb8: {  	s31 =	sshll.u32 s1, $0xD;
	s1 =	sshrl.u32 s1, $0x2  }
0xb9: {  	s3 =	sand.u32 $0x4000, s31;
	s1 =	sadd.s32 s1, s30  }
0xba: {  	s0 =	sor.u32 s3, s0;
	s1 =	sshll.u32 s1, $0x11  }
0xbb: {  	s0 =	sor.u32 s1, s0  }
0xbc: {  	s0 =	sadd.s32 $0x8F2B, s0  }
0xbd: {  	[sflag:s0] =	ssyncadd.remote.s32 $0x1  }
0xbe: {  	_ =	sfence.sel $0xFFFF  }
0xbf: {  	[dreg:$0x0] =	wrdreg $0xFFFFFFFF;
	(pc) =	sbr.abs _section_cstart, $3  }
0xc0: {  	[dreg:$0x1] =	wrdreg $0xFFFFFFFF  }
0xc1: {  	_ =	task.clear_ibuf [dreg:s7], $0x2FFFF;
	_ =	strace $0x9FFFFFFF  }
0xc2: {  	(tm) =	ssettm $0x7FFFFFFF  }
0xc3: {  	_ =	shalt  }
tec
execute0_lowered:
.L_overlay_start_1:
0x0: {  	(tag) =	ssettag $0x1  }
0x1: {  	s0 =	srdreg.scid;
	s2 =	rddreg [dreg:$0x0]  }
0x2: {  	s1 =	stileid.u32;
	s3 =	rddreg [dreg:$0x1];
	s29 =	simm.s32 $0x200  }
0x3: {  	s28 =	simm.s32 $0x8200;
	s0 =	sand.u32 $0x1, s0;
	s1 =	sshll.u32 s1, $0xA  }
0x4: {  	s7 =	sadd.s32 $0x80800, s3;
	s8 =	sadd.s32 $0x40800, s3;
	s4 =	sshll.u32 s0, $0x9  }
0x5: {  	s0 =	ssub.s32 $0x2, s0;
	s1 =	sor.u32 s4, s1;
	s4 =	simm.s32 $0x0  }
0x6: {  	s5 =	sshrl.u32 s1, $0x3;
	[smem:$0x7FF] =	sst s4;
	s15 =	sshll.u32 s1, $0x6  }
0x7: {  	s1 =	sshll.u32 s1, $0x4;
	s6 =	sadd.s32 s5, s3;
	_ =	strace $0x80000047  }
0x8: {  	s9 =	sor.u32 $0x8, s5;
	s1 =	sadd.s32 s8, s1;
	s20 =	sor.u32 $0x10, s5  }
0x9: {  	s22 =	sor.u32 $0x18, s5;
	s31 =	sor.u32 $0x20, s5;
	s3 =	sshrl.u32 s0, $0x1  }
0xa: {  	s6 =	sadd.s32 $0x40000, s6;
	s16 =	sshll.u32 s9, $0x9;
	[dreg:$0x5] =	wrdreg s1  }
0xb: {  	s18 =	sshll.u32 s9, $0x7;
	s21 =	sshll.u32 s20, $0x9;
	s24 =	sshll.u32 s22, $0x9  }
0xc: {  	s26 =	sshll.u32 s22, $0x7;
	[dreg:$0x3] =	wrdreg s6;
	s6 =	sadd.s32 s7, s15  }
0xd: {  	s10 =	sshll.u32 s31, $0x9;
	s17 =	sadd.s32 s7, s16;
	[dreg:$0x4] =	wrdreg s6  }
0xe: {  	s0 =	ssub.s32 s0, s3;
	s19 =	sadd.s32 s8, s18;
	[dreg:$0x6] =	wrdreg s17  }
0xf: {  	s1 =	sadd.s32 s7, s21;
	s25 =	sadd.s32 s7, s24;
	[dreg:$0x7] =	wrdreg s19  }
0x10: {  	s30 =	sadd.s32 s8, s26;
	s16 =	sor.u32 $0x30, s5;
	[dreg:$0x8] =	wrdreg s1  }
0x11: {  	s24 =	simm.s32 $0xC0;
	s26 =	simm.s32 $0x140;
	[dreg:$0xa] =	wrdreg s25  }
0x12: {  	s6 =	sshll.u32 s20, $0x7;
	[dreg:$0xb] =	wrdreg s30;
	s1 =	sadd.s32 s7, s10  }
0x13: {  	s10 =	sor.u32 $0x28, s5;
	s17 =	sshll.u32 s16, $0x9;
	[dreg:$0x15] =	wrdreg s24  }
0x14: {  	s5 =	sor.u32 $0x38, s5;
	s25 =	simm.s32 $0x100;
	[dreg:$0x17] =	wrdreg s26  }
0x15: {  	s30 =	simm.s32 $0x180;
	s24 =	simm.s32 $0x40;
	[dreg:$0xc] =	wrdreg s1  }
0x16: {  	s26 =	simm.s32 $0x1;
	s23 =	sadd.s32 s8, s6;
	[dreg:$0x16] =	wrdreg s25  }
0x17: {  	s6 =	sshll.u32 s31, $0x7;
	s12 =	sshll.u32 s10, $0x9;
	[dreg:$0x18] =	wrdreg s30  }
0x18: {  	s14 =	sshll.u32 s10, $0x7;
	s1 =	sadd.s32 s7, s17;
	[dreg:$0x9] =	wrdreg s23  }
0x19: {  	s19 =	sshll.u32 s5, $0x9;
	s31 =	simm.s32 $0x1C0;
	[dreg:$0x10] =	wrdreg s1  }
0x1a: {  	s21 =	sshll.u32 s5, $0x7;
	s11 =	sadd.s32 s8, s6;
	[dreg:$0x19] =	wrdreg s31  }
0x1b: {  	s5 =	sadd.s32 $0x100, s2;
	s13 =	sadd.s32 s7, s12;
	[dreg:$0xd] =	wrdreg s11  }
0x1c: {  	s25 =	simm.s32 $0x10200;
	s15 =	sadd.s32 s8, s14;
	[dreg:$0xe] =	wrdreg s13  }
0x1d: {  	s6 =	sshll.u32 s16, $0x7;
	s20 =	sadd.s32 s7, s19;
	[dreg:$0xf] =	wrdreg s15  }
0x1e: {  	s22 =	sadd.s32 s8, s21;
	s23 =	simm.s32 $0x80;
	[dreg:$0x12] =	wrdreg s20  }
0x1f: {  	v2 =	vlaneseq.u32;
	s19 =	simm.s32 $0x2;
	s21 =	simm.s32 $0x4;
	[dreg:$0x13] =	wrdreg s22  }
0x20: {  	vm0 =	vmmov $0xffff;
	v1 =	vshrl.u32 v2, $0x3;
	s18 =	sadd.s32 s8, s6;
	s6 =	smax.u32 s0, $0x1;
	[dreg:$0x14] =	wrdreg s23  }
0x21: {  	v0 =	vand.u32 $0x7, v2;
	v2 =	vor.u32 $0x8, v2;
	v1 =	vmul.u32 $0x8, v1;
	s20 =	simm.s32 $0x3;
	[dreg:$0x11] =	wrdreg s18;
	s18 =	simm.s32 $0x12200  }
.LBB2_1:
0x22: {  	s22 =	rddreg [dreg:$0x3];
	s3 =	simm.s32 $0x5  }
0x23: {  	[tilespmem:s4], [sflag:$0x5] =	stream.linear.gather [hbm4b:s22+s4], $0x200, $0x38;
	[tilespmem:$0x14200] =	vst v63  }
0x24: {  	_ =	swait.ge [sflag:s3], $0x200  }
0x25: {  	[sflag:s3] =	ssyncset.done $0x0  }
0x26: {  	[sflag:s3] =	ssyncadd.s32 $0xFFFFFE00  }
0x27: {  	v3 =	vld [tilespmem:$0x0];
	_ =	sdelay $0x4  }
0x28: {  	v4 =	vshll.u32 v3, $0x2  }
0x29: {  	v3 =	vand.u32 $0x7, v3;
	v4 =	vand.u32 $0xFFFFFFE0, v4  }
0x2a: {  	v3 =	vor.u32 v3, v4  }
0x2b: {  	v4 =	vperm.xlane v3, v0;
	_ =	sdelay $0x1  }
0x2c: {  	v4 =	vadd.s32 v1, v4;
	_ =	sdelay $0x1  }
0x2d: {  	v3 =	vperm.xlane v3, v2;
	_ =	sdelay $0x1  }
0x2e: {  	v3 =	vadd.s32 v1, v3  }
0x2f: {  	[tilespmem:s29], [sflag:$0x1] =	stream.indirect_vreg.gather [hbm4b:s2+s4], $0x80, v4, vm0, $0xb8;
	[tilespmem:$0x14200] =	vst v63  }
0x30: {  	s0 =	simm.s32 $0xA00  }
0x31: {  	[tilespmem:s0], [sflag:$0x1] =	stream.indirect_vreg.gather [hbm4b:s5+s4], $0x80, v4, vm0, $0xb8;
	[tilespmem:$0x14200] =	vst v63  }
0x32: {  	s7 =	simm.s32 $0x1200  }
0x33: {  	[tilespmem:s7], [sflag:$0x1] =	stream.indirect_vreg.gather [hbm4b:s2+s4], $0x80, v3, vm0, $0xb8;
	[tilespmem:$0x14200] =	vst v63  }
0x34: {  	s9 =	simm.s32 $0x1A00  }
0x35: {  	[tilespmem:s9], [sflag:$0x1] =	stream.indirect_vreg.gather [hbm4b:s5+s4], $0x80, v3, vm0, $0xb8;
	[tilespmem:$0x14200] =	vst v63  }
0x36: {  	v3 =	vld [tilespmem:$0x10];
	_ =	sdelay $0x4  }
0x37: {  	v33 =	vshll.u32 v3, $0x2  }
0x38: {  	v3 =	vand.u32 $0x7, v3;
	v4 =	vand.u32 $0xFFFFFFE0, v33  }
0x39: {  	v3 =	vor.u32 v3, v4  }
0x3a: {  	v4 =	vperm.xlane v3, v0;
	_ =	sdelay $0x1  }
0x3b: {  	v4 =	vadd.s32 v1, v4;
	_ =	sdelay $0x1  }
0x3c: {  	v3 =	vperm.xlane v3, v2;
	_ =	sdelay $0x1  }
0x3d: {  	s10 =	simm.s32 $0x2200;
	v3 =	vadd.s32 v1, v3  }
0x3e: {  	[tilespmem:s10], [sflag:$0x1] =	stream.indirect_vreg.gather [hbm4b:s2+s4], $0x80, v4, vm0, $0xb8;
	[tilespmem:$0x14200] =	vst v63  }
0x3f: {  	s11 =	simm.s32 $0x2A00  }
0x40: {  	[tilespmem:s11], [sflag:$0x1] =	stream.indirect_vreg.gather [hbm4b:s5+s4], $0x80, v4, vm0, $0xb8;
	[tilespmem:$0x14200] =	vst v63  }
0x41: {  	s12 =	simm.s32 $0x3200  }
0x42: {  	[tilespmem:s12], [sflag:$0x1] =	stream.indirect_vreg.gather [hbm4b:s2+s4], $0x80, v3, vm0, $0xb8;
	[tilespmem:$0x14200] =	vst v63  }
0x43: {  	s13 =	simm.s32 $0x3A00  }
0x44: {  	[tilespmem:s13], [sflag:$0x1] =	stream.indirect_vreg.gather [hbm4b:s5+s4], $0x80, v3, vm0, $0xb8;
	[tilespmem:$0x14200] =	vst v63  }
0x45: {  	v3 =	vld [tilespmem:$0x20];
	_ =	sdelay $0x4  }
0x46: {  	v34 =	vshll.u32 v3, $0x2  }
0x47: {  	v3 =	vand.u32 $0x7, v3;
	v4 =	vand.u32 $0xFFFFFFE0, v34  }
0x48: {  	v3 =	vor.u32 v3, v4  }
0x49: {  	v4 =	vperm.xlane v3, v0;
	_ =	sdelay $0x1  }
0x4a: {  	v4 =	vadd.s32 v1, v4;
	_ =	sdelay $0x1  }
0x4b: {  	v3 =	vperm.xlane v3, v2;
	_ =	sdelay $0x1  }
0x4c: {  	s14 =	simm.s32 $0x4200;
	v3 =	vadd.s32 v1, v3  }
0x4d: {  	[tilespmem:s14], [sflag:$0x1] =	stream.indirect_vreg.gather [hbm4b:s2+s4], $0x80, v4, vm0, $0xb8;
	[tilespmem:$0x14200] =	vst v63  }
0x4e: {  	s15 =	simm.s32 $0x4A00  }
0x4f: {  	[tilespmem:s15], [sflag:$0x1] =	stream.indirect_vreg.gather [hbm4b:s5+s4], $0x80, v4, vm0, $0xb8;
	[tilespmem:$0x14200] =	vst v63  }
0x50: {  	s16 =	simm.s32 $0x5200  }
0x51: {  	[tilespmem:s16], [sflag:$0x1] =	stream.indirect_vreg.gather [hbm4b:s2+s4], $0x80, v3, vm0, $0xb8;
	[tilespmem:$0x14200] =	vst v63  }
0x52: {  	s17 =	simm.s32 $0x5A00  }
0x53: {  	[tilespmem:s17], [sflag:$0x1] =	stream.indirect_vreg.gather [hbm4b:s5+s4], $0x80, v3, vm0, $0xb8;
	[tilespmem:$0x14200] =	vst v63  }
0x54: {  	v3 =	vld [tilespmem:$0x30];
	_ =	sdelay $0x4  }
0x55: {  	v35 =	vshll.u32 v3, $0x2  }
0x56: {  	v3 =	vand.u32 $0x7, v3;
	v4 =	vand.u32 $0xFFFFFFE0, v35  }
0x57: {  	v3 =	vor.u32 v3, v4  }
0x58: {  	v4 =	vperm.xlane v3, v0;
	_ =	sdelay $0x1  }
0x59: {  	v4 =	vadd.s32 v1, v4;
	_ =	sdelay $0x1  }
0x5a: {  	v3 =	vperm.xlane v3, v2;
	_ =	sdelay $0x1  }
0x5b: {  	s22 =	simm.s32 $0x6200;
	v3 =	vadd.s32 v1, v3  }
0x5c: {  	[tilespmem:s22], [sflag:$0x1] =	stream.indirect_vreg.gather [hbm4b:s2+s4], $0x80, v4, vm0, $0xb8;
	[tilespmem:$0x14200] =	vst v63  }
0x5d: {  	s23 =	simm.s32 $0x6A00  }
0x5e: {  	[tilespmem:s23], [sflag:$0x1] =	stream.indirect_vreg.gather [hbm4b:s5+s4], $0x80, v4, vm0, $0xb8;
	[tilespmem:$0x14200] =	vst v63  }
0x5f: {  	s30 =	simm.s32 $0x7200  }
0x60: {  	[tilespmem:s30], [sflag:$0x1] =	stream.indirect_vreg.gather [hbm4b:s2+s4], $0x80, v3, vm0, $0xb8;
	[tilespmem:$0x14200] =	vst v63  }
0x61: {  	s31 =	simm.s32 $0x7A00  }
0x62: {  	[tilespmem:s31], [sflag:$0x1] =	stream.indirect_vreg.gather [hbm4b:s5+s4], $0x80, v3, vm0, $0xb8;
	[tilespmem:$0x14200] =	vst v63  }
0x63: {  	s0 =	rddreg [dreg:$0x1]  }
0x64: {  	[tilespmem:s25], [sflag:$0x1] =	stream.indirect.gather [hbm4b:s0+s24], $0x80, s4, s24, $0xb8;
	[tilespmem:$0x14200] =	vst v63  }
0x65: {  	_ =	swait.ge [sflag:s26], $0x8000  }
0x66: {  	[sflag:s26] =	ssyncset.done $0x0  }
0x67: {  	[sflag:s26] =	ssyncadd.s32 $0xFFFF8000  }
0x68: {  	_ =	swait.ge [sflag:s26], $0x2000  }
0x69: {  	[sflag:s26] =	ssyncset.done $0x0  }
0x6a: {  	s1 =	rddreg [dreg:$0x4];
	[sflag:s26] =	ssyncadd.s32 $0xFFFFE000  }
0x6b: {  	[hbm4b:s1+s4] =	stream.linear.scatter [tilespmem:s29], [sflag:$0x3], $0x8000, $0x38;
	[tilespmem:$0x14200] =	vst v63  }
0x6c: {  	s23 =	rddreg [dreg:$0x5]  }
0x6d: {  	[hbm4b:s23+s4] =	stream.linear.scatter [tilespmem:s25], [sflag:$0x3], $0x2000, $0x38;
	[tilespmem:$0x14200] =	vst v63  }
0x6e: {  	v3 =	vld [tilespmem:$0x40];
	_ =	sdelay $0x4  }
0x6f: {  	v36 =	vshll.u32 v3, $0x2  }
0x70: {  	v3 =	vand.u32 $0x7, v3;
	v4 =	vand.u32 $0xFFFFFFE0, v36  }
0x71: {  	v3 =	vor.u32 v3, v4  }
0x72: {  	v4 =	vperm.xlane v3, v0;
	_ =	sdelay $0x1  }
0x73: {  	v4 =	vadd.s32 v1, v4;
	_ =	sdelay $0x1  }
0x74: {  	v3 =	vperm.xlane v3, v2;
	_ =	sdelay $0x1  }
0x75: {  	v3 =	vadd.s32 v1, v3  }
0x76: {  	[tilespmem:s28], [sflag:$0x2] =	stream.indirect_vreg.gather [hbm4b:s2+s4], $0x80, v4, vm0, $0xb8;
	[tilespmem:$0x14200] =	vst v63  }
0x77: {  	s3 =	simm.s32 $0x8A00  }
0x78: {  	[tilespmem:s3], [sflag:$0x2] =	stream.indirect_vreg.gather [hbm4b:s5+s4], $0x80, v4, vm0, $0xb8;
	[tilespmem:$0x14200] =	vst v63  }
0x79: {  	s7 =	simm.s32 $0x9200  }
0x7a: {  	[tilespmem:s7], [sflag:$0x2] =	stream.indirect_vreg.gather [hbm4b:s2+s4], $0x80, v3, vm0, $0xb8;
	[tilespmem:$0x14200] =	vst v63  }
0x7b: {  	s10 =	simm.s32 $0x9A00  }
0x7c: {  	[tilespmem:s10], [sflag:$0x2] =	stream.indirect_vreg.gather [hbm4b:s5+s4], $0x80, v3, vm0, $0xb8;
	[tilespmem:$0x14200] =	vst v63  }
0x7d: {  	v3 =	vld [tilespmem:$0x50];
	_ =	sdelay $0x4  }
0x7e: {  	v37 =	vshll.u32 v3, $0x2  }
0x7f: {  	v3 =	vand.u32 $0x7, v3;
	v4 =	vand.u32 $0xFFFFFFE0, v37  }
0x80: {  	v3 =	vor.u32 v3, v4  }
0x81: {  	v4 =	vperm.xlane v3, v0;
	_ =	sdelay $0x1  }
0x82: {  	v4 =	vadd.s32 v1, v4;
	_ =	sdelay $0x1  }
0x83: {  	v3 =	vperm.xlane v3, v2;
	_ =	sdelay $0x1  }
0x84: {  	s11 =	simm.s32 $0xA200;
	v3 =	vadd.s32 v1, v3  }
0x85: {  	[tilespmem:s11], [sflag:$0x2] =	stream.indirect_vreg.gather [hbm4b:s2+s4], $0x80, v4, vm0, $0xb8;
	[tilespmem:$0x14200] =	vst v63  }
0x86: {  	s13 =	simm.s32 $0xAA00  }
0x87: {  	[tilespmem:s13], [sflag:$0x2] =	stream.indirect_vreg.gather [hbm4b:s5+s4], $0x80, v4, vm0, $0xb8;
	[tilespmem:$0x14200] =	vst v63  }
0x88: {  	s14 =	simm.s32 $0xB200  }
0x89: {  	[tilespmem:s14], [sflag:$0x2] =	stream.indirect_vreg.gather [hbm4b:s2+s4], $0x80, v3, vm0, $0xb8;
	[tilespmem:$0x14200] =	vst v63  }
0x8a: {  	s16 =	simm.s32 $0xBA00  }
0x8b: {  	[tilespmem:s16], [sflag:$0x2] =	stream.indirect_vreg.gather [hbm4b:s5+s4], $0x80, v3, vm0, $0xb8;
	[tilespmem:$0x14200] =	vst v63  }
0x8c: {  	v3 =	vld [tilespmem:$0x60];
	_ =	sdelay $0x4  }
0x8d: {  	v38 =	vshll.u32 v3, $0x2  }
0x8e: {  	v3 =	vand.u32 $0x7, v3;
	v4 =	vand.u32 $0xFFFFFFE0, v38  }
0x8f: {  	v3 =	vor.u32 v3, v4  }
0x90: {  	v4 =	vperm.xlane v3, v0;
	_ =	sdelay $0x1  }
0x91: {  	v4 =	vadd.s32 v1, v4;
	_ =	sdelay $0x1  }
0x92: {  	v3 =	vperm.xlane v3, v2;
	_ =	sdelay $0x1  }
0x93: {  	s17 =	simm.s32 $0xC200;
	v3 =	vadd.s32 v1, v3  }
0x94: {  	[tilespmem:s17], [sflag:$0x2] =	stream.indirect_vreg.gather [hbm4b:s2+s4], $0x80, v4, vm0, $0xb8;
	[tilespmem:$0x14200] =	vst v63  }
0x95: {  	s23 =	simm.s32 $0xCA00  }
0x96: {  	[tilespmem:s23], [sflag:$0x2] =	stream.indirect_vreg.gather [hbm4b:s5+s4], $0x80, v4, vm0, $0xb8;
	[tilespmem:$0x14200] =	vst v63  }
0x97: {  	s31 =	simm.s32 $0xD200  }
0x98: {  	[tilespmem:s31], [sflag:$0x2] =	stream.indirect_vreg.gather [hbm4b:s2+s4], $0x80, v3, vm0, $0xb8;
	[tilespmem:$0x14200] =	vst v63  }
0x99: {  	s7 =	simm.s32 $0xDA00  }
0x9a: {  	[tilespmem:s7], [sflag:$0x2] =	stream.indirect_vreg.gather [hbm4b:s5+s4], $0x80, v3, vm0, $0xb8;
	[tilespmem:$0x14200] =	vst v63  }
0x9b: {  	v3 =	vld [tilespmem:$0x70];
	_ =	sdelay $0x4  }
0x9c: {  	v39 =	vshll.u32 v3, $0x2  }
0x9d: {  	v3 =	vand.u32 $0x7, v3;
	v4 =	vand.u32 $0xFFFFFFE0, v39  }
0x9e: {  	v3 =	vor.u32 v3, v4  }
0x9f: {  	v4 =	vperm.xlane v3, v0;
	_ =	sdelay $0x1  }
0xa0: {  	v4 =	vadd.s32 v1, v4;
	_ =	sdelay $0x1  }
0xa1: {  	v3 =	vperm.xlane v3, v2;
	_ =	sdelay $0x1  }
0xa2: {  	s10 =	simm.s32 $0xE200;
	v3 =	vadd.s32 v1, v3  }
0xa3: {  	[tilespmem:s10], [sflag:$0x2] =	stream.indirect_vreg.gather [hbm4b:s2+s4], $0x80, v4, vm0, $0xb8;
	[tilespmem:$0x14200] =	vst v63  }
0xa4: {  	s11 =	simm.s32 $0xEA00  }
0xa5: {  	[tilespmem:s11], [sflag:$0x2] =	stream.indirect_vreg.gather [hbm4b:s5+s4], $0x80, v4, vm0, $0xb8;
	[tilespmem:$0x14200] =	vst v63  }
0xa6: {  	s13 =	simm.s32 $0xF200  }
0xa7: {  	[tilespmem:s13], [sflag:$0x2] =	stream.indirect_vreg.gather [hbm4b:s2+s4], $0x80, v3, vm0, $0xb8;
	[tilespmem:$0x14200] =	vst v63  }
0xa8: {  	s14 =	simm.s32 $0xFA00  }
0xa9: {  	[tilespmem:s14], [sflag:$0x2] =	stream.indirect_vreg.gather [hbm4b:s5+s4], $0x80, v3, vm0, $0xb8;
	[tilespmem:$0x14200] =	vst v63  }
0xaa: {  	_ = 	snop  }
0xab: {  	[tilespmem:s18], [sflag:$0x2] =	stream.indirect.gather [hbm4b:s0+s24], $0x80, s24, s24, $0xb8;
	[tilespmem:$0x14200] =	vst v63  }
0xac: {  	_ =	swait.ge [sflag:s19], $0x8000  }
0xad: {  	[sflag:s19] =	ssyncset.done $0x0  }
0xae: {  	[sflag:s19] =	ssyncadd.s32 $0xFFFF8000  }
0xaf: {  	_ =	swait.ge [sflag:s19], $0x2000  }
0xb0: {  	[sflag:s19] =	ssyncset.done $0x0  }
0xb1: {  	s16 =	rddreg [dreg:$0x6];
	[sflag:s19] =	ssyncadd.s32 $0xFFFFE000  }
0xb2: {  	[hbm4b:s16+s4] =	stream.linear.scatter [tilespmem:s28], [sflag:$0x4], $0x8000, $0x38;
	[tilespmem:$0x14200] =	vst v63  }
0xb3: {  	s17 =	rddreg [dreg:$0x7]  }
0xb4: {  	[hbm4b:s17+s4] =	stream.linear.scatter [tilespmem:s18], [sflag:$0x4], $0x2000, $0x38;
	[tilespmem:$0x14200] =	vst v63  }
0xb5: {  	_ =	swait.ge [sflag:s20], $0x8000  }
0xb6: {  	[sflag:s20] =	ssyncset.done $0x0  }
0xb7: {  	[sflag:s20] =	ssyncadd.s32 $0xFFFF8000  }
0xb8: {  	_ =	swait.ge [sflag:s20], $0x2000  }
0xb9: {  	[sflag:s20] =	ssyncset.done $0x0  }
0xba: {  	[sflag:s20] =	ssyncadd.s32 $0xFFFFE000  }
0xbb: {  	v3 =	vld [tilespmem:$0x80];
	_ =	sdelay $0x4  }
0xbc: {  	v40 =	vshll.u32 v3, $0x2  }
0xbd: {  	v3 =	vand.u32 $0x7, v3;
	v4 =	vand.u32 $0xFFFFFFE0, v40  }
0xbe: {  	v3 =	vor.u32 v3, v4  }
0xbf: {  	v4 =	vperm.xlane v3, v0;
	_ =	sdelay $0x1  }
0xc0: {  	v4 =	vadd.s32 v1, v4;
	_ =	sdelay $0x1  }
0xc1: {  	v3 =	vperm.xlane v3, v2;
	_ =	sdelay $0x1  }
0xc2: {  	v3 =	vadd.s32 v1, v3  }
0xc3: {  	[tilespmem:s29], [sflag:$0x1] =	stream.indirect_vreg.gather [hbm4b:s2+s4], $0x80, v4, vm0, $0xb8;
	[tilespmem:$0x14200] =	vst v63  }
0xc4: {  	s8 =	simm.s32 $0xA00  }
0xc5: {  	[tilespmem:s8], [sflag:$0x1] =	stream.indirect_vreg.gather [hbm4b:s5+s4], $0x80, v4, vm0, $0xb8;
	[tilespmem:$0x14200] =	vst v63  }
0xc6: {  	s31 =	simm.s32 $0x1200  }
0xc7: {  	[tilespmem:s31], [sflag:$0x1] =	stream.indirect_vreg.gather [hbm4b:s2+s4], $0x80, v3, vm0, $0xb8;
	[tilespmem:$0x14200] =	vst v63  }
0xc8: {  	s9 =	simm.s32 $0x1A00  }
0xc9: {  	[tilespmem:s9], [sflag:$0x1] =	stream.indirect_vreg.gather [hbm4b:s5+s4], $0x80, v3, vm0, $0xb8;
	[tilespmem:$0x14200] =	vst v63  }
0xca: {  	v3 =	vld [tilespmem:$0x90];
	_ =	sdelay $0x4  }
0xcb: {  	v41 =	vshll.u32 v3, $0x2  }
0xcc: {  	v3 =	vand.u32 $0x7, v3;
	v4 =	vand.u32 $0xFFFFFFE0, v41  }
0xcd: {  	v3 =	vor.u32 v3, v4  }
0xce: {  	v4 =	vperm.xlane v3, v0;
	_ =	sdelay $0x1  }
0xcf: {  	v4 =	vadd.s32 v1, v4;
	_ =	sdelay $0x1  }
0xd0: {  	v3 =	vperm.xlane v3, v2;
	_ =	sdelay $0x1  }
0xd1: {  	s9 =	simm.s32 $0x2200;
	v3 =	vadd.s32 v1, v3  }
0xd2: {  	[tilespmem:s9], [sflag:$0x1] =	stream.indirect_vreg.gather [hbm4b:s2+s4], $0x80, v4, vm0, $0xb8;
	[tilespmem:$0x14200] =	vst v63  }
0xd3: {  	s10 =	simm.s32 $0x2A00  }
0xd4: {  	[tilespmem:s10], [sflag:$0x1] =	stream.indirect_vreg.gather [hbm4b:s5+s4], $0x80, v4, vm0, $0xb8;
	[tilespmem:$0x14200] =	vst v63  }
0xd5: {  	s11 =	simm.s32 $0x3200  }
0xd6: {  	[tilespmem:s11], [sflag:$0x1] =	stream.indirect_vreg.gather [hbm4b:s2+s4], $0x80, v3, vm0, $0xb8;
	[tilespmem:$0x14200] =	vst v63  }
0xd7: {  	s12 =	simm.s32 $0x3A00  }
0xd8: {  	[tilespmem:s12], [sflag:$0x1] =	stream.indirect_vreg.gather [hbm4b:s5+s4], $0x80, v3, vm0, $0xb8;
	[tilespmem:$0x14200] =	vst v63  }
0xd9: {  	v3 =	vld [tilespmem:$0xA0];
	_ =	sdelay $0x4  }
0xda: {  	v42 =	vshll.u32 v3, $0x2  }
0xdb: {  	v3 =	vand.u32 $0x7, v3;
	v4 =	vand.u32 $0xFFFFFFE0, v42  }
0xdc: {  	v3 =	vor.u32 v3, v4  }
0xdd: {  	v4 =	vperm.xlane v3, v0;
	_ =	sdelay $0x1  }
0xde: {  	v4 =	vadd.s32 v1, v4;
	_ =	sdelay $0x1  }
0xdf: {  	v3 =	vperm.xlane v3, v2;
	_ =	sdelay $0x1  }
0xe0: {  	s12 =	simm.s32 $0x4200;
	v3 =	vadd.s32 v1, v3  }
0xe1: {  	[tilespmem:s12], [sflag:$0x1] =	stream.indirect_vreg.gather [hbm4b:s2+s4], $0x80, v4, vm0, $0xb8;
	[tilespmem:$0x14200] =	vst v63  }
0xe2: {  	s13 =	simm.s32 $0x4A00  }
0xe3: {  	[tilespmem:s13], [sflag:$0x1] =	stream.indirect_vreg.gather [hbm4b:s5+s4], $0x80, v4, vm0, $0xb8;
	[tilespmem:$0x14200] =	vst v63  }
0xe4: {  	s14 =	simm.s32 $0x5200  }
0xe5: {  	[tilespmem:s14], [sflag:$0x1] =	stream.indirect_vreg.gather [hbm4b:s2+s4], $0x80, v3, vm0, $0xb8;
	[tilespmem:$0x14200] =	vst v63  }
0xe6: {  	s15 =	simm.s32 $0x5A00  }
0xe7: {  	[tilespmem:s15], [sflag:$0x1] =	stream.indirect_vreg.gather [hbm4b:s5+s4], $0x80, v3, vm0, $0xb8;
	[tilespmem:$0x14200] =	vst v63  }
0xe8: {  	v3 =	vld [tilespmem:$0xB0];
	_ =	sdelay $0x4  }
0xe9: {  	v43 =	vshll.u32 v3, $0x2  }
0xea: {  	v3 =	vand.u32 $0x7, v3;
	v4 =	vand.u32 $0xFFFFFFE0, v43  }
0xeb: {  	v3 =	vor.u32 v3, v4  }
0xec: {  	v4 =	vperm.xlane v3, v0;
	_ =	sdelay $0x1  }
0xed: {  	v4 =	vadd.s32 v1, v4;
	_ =	sdelay $0x1  }
0xee: {  	v3 =	vperm.xlane v3, v2;
	_ =	sdelay $0x1  }
0xef: {  	s15 =	simm.s32 $0x6200;
	v3 =	vadd.s32 v1, v3  }
0xf0: {  	[tilespmem:s15], [sflag:$0x1] =	stream.indirect_vreg.gather [hbm4b:s2+s4], $0x80, v4, vm0, $0xb8;
	[tilespmem:$0x14200] =	vst v63  }
0xf1: {  	s16 =	simm.s32 $0x6A00  }
0xf2: {  	[tilespmem:s16], [sflag:$0x1] =	stream.indirect_vreg.gather [hbm4b:s5+s4], $0x80, v4, vm0, $0xb8;
	[tilespmem:$0x14200] =	vst v63  }
0xf3: {  	s17 =	simm.s32 $0x7200  }
0xf4: {  	[tilespmem:s17], [sflag:$0x1] =	stream.indirect_vreg.gather [hbm4b:s2+s4], $0x80, v3, vm0, $0xb8;
	[tilespmem:$0x14200] =	vst v63  }
0xf5: {  	s8 =	simm.s32 $0x7A00  }
0xf6: {  	[tilespmem:s8], [sflag:$0x1] =	stream.indirect_vreg.gather [hbm4b:s5+s4], $0x80, v3, vm0, $0xb8;
	[tilespmem:$0x14200] =	vst v63  }
0xf7: {  	s23 =	rddreg [dreg:$0x14]  }
0xf8: {  	[tilespmem:s25], [sflag:$0x1] =	stream.indirect.gather [hbm4b:s0+s24], $0x80, s23, s24, $0xb8;
	[tilespmem:$0x14200] =	vst v63  }
0xf9: {  	_ =	swait.ge [sflag:s26], $0x8000  }
0xfa: {  	[sflag:s26] =	ssyncset.done $0x0  }
0xfb: {  	[sflag:s26] =	ssyncadd.s32 $0xFFFF8000  }
0xfc: {  	_ =	swait.ge [sflag:s26], $0x2000  }
0xfd: {  	[sflag:s26] =	ssyncset.done $0x0  }
0xfe: {  	s22 =	rddreg [dreg:$0x8];
	[sflag:s26] =	ssyncadd.s32 $0xFFFFE000  }
0xff: {  	[hbm4b:s22+s4] =	stream.linear.scatter [tilespmem:s29], [sflag:$0x3], $0x8000, $0x38;
	[tilespmem:$0x14200] =	vst v63  }
0x100: {  	s23 =	rddreg [dreg:$0x9]  }
0x101: {  	[hbm4b:s23+s4] =	stream.linear.scatter [tilespmem:s25], [sflag:$0x3], $0x2000, $0x38;
	[tilespmem:$0x14200] =	vst v63  }
0x102: {  	_ =	swait.ge [sflag:s21], $0x8000  }
0x103: {  	[sflag:s21] =	ssyncset.done $0x0  }
0x104: {  	[sflag:s21] =	ssyncadd.s32 $0xFFFF8000  }
0x105: {  	_ =	swait.ge [sflag:s21], $0x2000  }
0x106: {  	[sflag:s21] =	ssyncset.done $0x0  }
0x107: {  	[sflag:s21] =	ssyncadd.s32 $0xFFFFE000  }
0x108: {  	v3 =	vld [tilespmem:$0xC0];
	_ =	sdelay $0x4  }
0x109: {  	v44 =	vshll.u32 v3, $0x2  }
0x10a: {  	v3 =	vand.u32 $0x7, v3;
	v4 =	vand.u32 $0xFFFFFFE0, v44  }
0x10b: {  	v3 =	vor.u32 v3, v4  }
0x10c: {  	v4 =	vperm.xlane v3, v0;
	_ =	sdelay $0x1  }
0x10d: {  	v4 =	vadd.s32 v1, v4;
	_ =	sdelay $0x1  }
0x10e: {  	v3 =	vperm.xlane v3, v2;
	_ =	sdelay $0x1  }
0x10f: {  	v3 =	vadd.s32 v1, v3  }
0x110: {  	[tilespmem:s28], [sflag:$0x2] =	stream.indirect_vreg.gather [hbm4b:s2+s4], $0x80, v4, vm0, $0xb8;
	[tilespmem:$0x14200] =	vst v63  }
0x111: {  	s23 =	simm.s32 $0x8A00  }
0x112: {  	[tilespmem:s23], [sflag:$0x2] =	stream.indirect_vreg.gather [hbm4b:s5+s4], $0x80, v4, vm0, $0xb8;
	[tilespmem:$0x14200] =	vst v63  }
0x113: {  	s23 =	simm.s32 $0x9200  }
0x114: {  	[tilespmem:s23], [sflag:$0x2] =	stream.indirect_vreg.gather [hbm4b:s2+s4], $0x80, v3, vm0, $0xb8;
	[tilespmem:$0x14200] =	vst v63  }
0x115: {  	s1 =	simm.s32 $0x9A00  }
0x116: {  	[tilespmem:s1], [sflag:$0x2] =	stream.indirect_vreg.gather [hbm4b:s5+s4], $0x80, v3, vm0, $0xb8;
	[tilespmem:$0x14200] =	vst v63  }
0x117: {  	v3 =	vld [tilespmem:$0xD0];
	_ =	sdelay $0x4  }
0x118: {  	v45 =	vshll.u32 v3, $0x2  }
0x119: {  	v3 =	vand.u32 $0x7, v3;
	v4 =	vand.u32 $0xFFFFFFE0, v45  }
0x11a: {  	v3 =	vor.u32 v3, v4  }
0x11b: {  	v4 =	vperm.xlane v3, v0;
	_ =	sdelay $0x1  }
0x11c: {  	v4 =	vadd.s32 v1, v4;
	_ =	sdelay $0x1  }
0x11d: {  	v3 =	vperm.xlane v3, v2;
	_ =	sdelay $0x1  }
0x11e: {  	s30 =	simm.s32 $0xA200;
	v3 =	vadd.s32 v1, v3  }
0x11f: {  	[tilespmem:s30], [sflag:$0x2] =	stream.indirect_vreg.gather [hbm4b:s2+s4], $0x80, v4, vm0, $0xb8;
	[tilespmem:$0x14200] =	vst v63  }
0x120: {  	s23 =	simm.s32 $0xAA00  }
0x121: {  	[tilespmem:s23], [sflag:$0x2] =	stream.indirect_vreg.gather [hbm4b:s5+s4], $0x80, v4, vm0, $0xb8;
	[tilespmem:$0x14200] =	vst v63  }
0x122: {  	s30 =	simm.s32 $0xB200  }
0x123: {  	[tilespmem:s30], [sflag:$0x2] =	stream.indirect_vreg.gather [hbm4b:s2+s4], $0x80, v3, vm0, $0xb8;
	[tilespmem:$0x14200] =	vst v63  }
0x124: {  	s3 =	simm.s32 $0xBA00  }
0x125: {  	[tilespmem:s3], [sflag:$0x2] =	stream.indirect_vreg.gather [hbm4b:s5+s4], $0x80, v3, vm0, $0xb8;
	[tilespmem:$0x14200] =	vst v63  }
0x126: {  	v3 =	vld [tilespmem:$0xE0];
	_ =	sdelay $0x4  }
0x127: {  	v46 =	vshll.u32 v3, $0x2  }
0x128: {  	v3 =	vand.u32 $0x7, v3;
	v4 =	vand.u32 $0xFFFFFFE0, v46  }
0x129: {  	v3 =	vor.u32 v3, v4  }
0x12a: {  	v4 =	vperm.xlane v3, v0;
	_ =	sdelay $0x1  }
0x12b: {  	v4 =	vadd.s32 v1, v4;
	_ =	sdelay $0x1  }
0x12c: {  	v3 =	vperm.xlane v3, v2;
	_ =	sdelay $0x1  }
0x12d: {  	s22 =	simm.s32 $0xC200;
	v3 =	vadd.s32 v1, v3  }
0x12e: {  	[tilespmem:s22], [sflag:$0x2] =	stream.indirect_vreg.gather [hbm4b:s2+s4], $0x80, v4, vm0, $0xb8;
	[tilespmem:$0x14200] =	vst v63  }
0x12f: {  	s23 =	simm.s32 $0xCA00  }
0x130: {  	[tilespmem:s23], [sflag:$0x2] =	stream.indirect_vreg.gather [hbm4b:s5+s4], $0x80, v4, vm0, $0xb8;
	[tilespmem:$0x14200] =	vst v63  }
0x131: {  	s30 =	simm.s32 $0xD200  }
0x132: {  	[tilespmem:s30], [sflag:$0x2] =	stream.indirect_vreg.gather [hbm4b:s2+s4], $0x80, v3, vm0, $0xb8;
	[tilespmem:$0x14200] =	vst v63  }
0x133: {  	s7 =	simm.s32 $0xDA00  }
0x134: {  	[tilespmem:s7], [sflag:$0x2] =	stream.indirect_vreg.gather [hbm4b:s5+s4], $0x80, v3, vm0, $0xb8;
	[tilespmem:$0x14200] =	vst v63  }
0x135: {  	v3 =	vld [tilespmem:$0xF0];
	_ =	sdelay $0x4  }
0x136: {  	v47 =	vshll.u32 v3, $0x2  }
0x137: {  	v3 =	vand.u32 $0x7, v3;
	v4 =	vand.u32 $0xFFFFFFE0, v47  }
0x138: {  	v3 =	vor.u32 v3, v4  }
0x139: {  	v4 =	vperm.xlane v3, v0;
	_ =	sdelay $0x1  }
0x13a: {  	v4 =	vadd.s32 v1, v4;
	_ =	sdelay $0x1  }
0x13b: {  	v3 =	vperm.xlane v3, v2;
	_ =	sdelay $0x1  }
0x13c: {  	s3 =	simm.s32 $0xE200;
	v3 =	vadd.s32 v1, v3  }
0x13d: {  	[tilespmem:s3], [sflag:$0x2] =	stream.indirect_vreg.gather [hbm4b:s2+s4], $0x80, v4, vm0, $0xb8;
	[tilespmem:$0x14200] =	vst v63  }
0x13e: {  	s7 =	simm.s32 $0xEA00  }
0x13f: {  	[tilespmem:s7], [sflag:$0x2] =	stream.indirect_vreg.gather [hbm4b:s5+s4], $0x80, v4, vm0, $0xb8;
	[tilespmem:$0x14200] =	vst v63  }
0x140: {  	s22 =	simm.s32 $0xF200  }
0x141: {  	[tilespmem:s22], [sflag:$0x2] =	stream.indirect_vreg.gather [hbm4b:s2+s4], $0x80, v3, vm0, $0xb8;
	[tilespmem:$0x14200] =	vst v63  }
0x142: {  	s30 =	simm.s32 $0xFA00  }
0x143: {  	[tilespmem:s30], [sflag:$0x2] =	stream.indirect_vreg.gather [hbm4b:s5+s4], $0x80, v3, vm0, $0xb8;
	[tilespmem:$0x14200] =	vst v63  }
0x144: {  	s23 =	rddreg [dreg:$0x15]  }
0x145: {  	[tilespmem:s18], [sflag:$0x2] =	stream.indirect.gather [hbm4b:s0+s24], $0x80, s23, s24, $0xb8;
	[tilespmem:$0x14200] =	vst v63  }
0x146: {  	_ =	swait.ge [sflag:s19], $0x8000  }
0x147: {  	[sflag:s19] =	ssyncset.done $0x0  }
0x148: {  	[sflag:s19] =	ssyncadd.s32 $0xFFFF8000  }
0x149: {  	_ =	swait.ge [sflag:s19], $0x2000  }
0x14a: {  	[sflag:s19] =	ssyncset.done $0x0  }
0x14b: {  	s3 =	rddreg [dreg:$0xa];
	[sflag:s19] =	ssyncadd.s32 $0xFFFFE000  }
0x14c: {  	[hbm4b:s3+s4] =	stream.linear.scatter [tilespmem:s28], [sflag:$0x4], $0x8000, $0x38;
	[tilespmem:$0x14200] =	vst v63  }
0x14d: {  	s7 =	rddreg [dreg:$0xb]  }
0x14e: {  	[hbm4b:s7+s4] =	stream.linear.scatter [tilespmem:s18], [sflag:$0x4], $0x2000, $0x38;
	[tilespmem:$0x14200] =	vst v63  }
0x14f: {  	_ =	swait.ge [sflag:s20], $0x8000  }
0x150: {  	[sflag:s20] =	ssyncset.done $0x0  }
0x151: {  	[sflag:s20] =	ssyncadd.s32 $0xFFFF8000  }
0x152: {  	_ =	swait.ge [sflag:s20], $0x2000  }
0x153: {  	[sflag:s20] =	ssyncset.done $0x0  }
0x154: {  	[sflag:s20] =	ssyncadd.s32 $0xFFFFE000  }
0x155: {  	v3 =	vld [tilespmem:$0x100];
	_ =	sdelay $0x4  }
0x156: {  	v48 =	vshll.u32 v3, $0x2  }
0x157: {  	v3 =	vand.u32 $0x7, v3;
	v4 =	vand.u32 $0xFFFFFFE0, v48  }
0x158: {  	v3 =	vor.u32 v3, v4  }
0x159: {  	v4 =	vperm.xlane v3, v0;
	_ =	sdelay $0x1  }
0x15a: {  	v4 =	vadd.s32 v1, v4;
	_ =	sdelay $0x1  }
0x15b: {  	v3 =	vperm.xlane v3, v2;
	_ =	sdelay $0x1  }
0x15c: {  	v3 =	vadd.s32 v1, v3  }
0x15d: {  	[tilespmem:s29], [sflag:$0x1] =	stream.indirect_vreg.gather [hbm4b:s2+s4], $0x80, v4, vm0, $0xb8;
	[tilespmem:$0x14200] =	vst v63  }
0x15e: {  	s23 =	simm.s32 $0xA00  }
0x15f: {  	[tilespmem:s23], [sflag:$0x1] =	stream.indirect_vreg.gather [hbm4b:s5+s4], $0x80, v4, vm0, $0xb8;
	[tilespmem:$0x14200] =	vst v63  }
0x160: {  	_ = 	snop  }
0x161: {  	[tilespmem:s31], [sflag:$0x1] =	stream.indirect_vreg.gather [hbm4b:s2+s4], $0x80, v3, vm0, $0xb8;
	[tilespmem:$0x14200] =	vst v63  }
0x162: {  	s30 =	simm.s32 $0x1A00  }
0x163: {  	[tilespmem:s30], [sflag:$0x1] =	stream.indirect_vreg.gather [hbm4b:s5+s4], $0x80, v3, vm0, $0xb8;
	[tilespmem:$0x14200] =	vst v63  }
0x164: {  	v3 =	vld [tilespmem:$0x110];
	_ =	sdelay $0x4  }
0x165: {  	v49 =	vshll.u32 v3, $0x2  }
0x166: {  	v3 =	vand.u32 $0x7, v3;
	v4 =	vand.u32 $0xFFFFFFE0, v49  }
0x167: {  	v3 =	vor.u32 v3, v4  }
0x168: {  	v4 =	vperm.xlane v3, v0;
	_ =	sdelay $0x1  }
0x169: {  	v4 =	vadd.s32 v1, v4;
	_ =	sdelay $0x1  }
0x16a: {  	v3 =	vperm.xlane v3, v2;
	_ =	sdelay $0x1  }
0x16b: {  	v3 =	vadd.s32 v1, v3  }
0x16c: {  	[tilespmem:s9], [sflag:$0x1] =	stream.indirect_vreg.gather [hbm4b:s2+s4], $0x80, v4, vm0, $0xb8;
	[tilespmem:$0x14200] =	vst v63  }
0x16d: {  	_ = 	snop  }
0x16e: {  	[tilespmem:s10], [sflag:$0x1] =	stream.indirect_vreg.gather [hbm4b:s5+s4], $0x80, v4, vm0, $0xb8;
	[tilespmem:$0x14200] =	vst v63  }
0x16f: {  	_ = 	snop  }
0x170: {  	[tilespmem:s11], [sflag:$0x1] =	stream.indirect_vreg.gather [hbm4b:s2+s4], $0x80, v3, vm0, $0xb8;
	[tilespmem:$0x14200] =	vst v63  }
0x171: {  	s7 =	simm.s32 $0x3A00  }
0x172: {  	[tilespmem:s7], [sflag:$0x1] =	stream.indirect_vreg.gather [hbm4b:s5+s4], $0x80, v3, vm0, $0xb8;
	[tilespmem:$0x14200] =	vst v63  }
0x173: {  	v3 =	vld [tilespmem:$0x120];
	_ =	sdelay $0x4  }
0x174: {  	v50 =	vshll.u32 v3, $0x2  }
0x175: {  	v3 =	vand.u32 $0x7, v3;
	v4 =	vand.u32 $0xFFFFFFE0, v50  }
0x176: {  	v3 =	vor.u32 v3, v4  }
0x177: {  	v4 =	vperm.xlane v3, v0;
	_ =	sdelay $0x1  }
0x178: {  	v4 =	vadd.s32 v1, v4;
	_ =	sdelay $0x1  }
0x179: {  	v3 =	vperm.xlane v3, v2;
	_ =	sdelay $0x1  }
0x17a: {  	v3 =	vadd.s32 v1, v3  }
0x17b: {  	[tilespmem:s12], [sflag:$0x1] =	stream.indirect_vreg.gather [hbm4b:s2+s4], $0x80, v4, vm0, $0xb8;
	[tilespmem:$0x14200] =	vst v63  }
0x17c: {  	_ = 	snop  }
0x17d: {  	[tilespmem:s13], [sflag:$0x1] =	stream.indirect_vreg.gather [hbm4b:s5+s4], $0x80, v4, vm0, $0xb8;
	[tilespmem:$0x14200] =	vst v63  }
0x17e: {  	_ = 	snop  }
0x17f: {  	[tilespmem:s14], [sflag:$0x1] =	stream.indirect_vreg.gather [hbm4b:s2+s4], $0x80, v3, vm0, $0xb8;
	[tilespmem:$0x14200] =	vst v63  }
0x180: {  	s22 =	simm.s32 $0x5A00  }
0x181: {  	[tilespmem:s22], [sflag:$0x1] =	stream.indirect_vreg.gather [hbm4b:s5+s4], $0x80, v3, vm0, $0xb8;
	[tilespmem:$0x14200] =	vst v63  }
0x182: {  	v3 =	vld [tilespmem:$0x130];
	_ =	sdelay $0x4  }
0x183: {  	v51 =	vshll.u32 v3, $0x2  }
0x184: {  	v3 =	vand.u32 $0x7, v3;
	v4 =	vand.u32 $0xFFFFFFE0, v51  }
0x185: {  	v3 =	vor.u32 v3, v4  }
0x186: {  	v4 =	vperm.xlane v3, v0;
	_ =	sdelay $0x1  }
0x187: {  	v4 =	vadd.s32 v1, v4;
	_ =	sdelay $0x1  }
0x188: {  	v3 =	vperm.xlane v3, v2;
	_ =	sdelay $0x1  }
0x189: {  	v3 =	vadd.s32 v1, v3  }
0x18a: {  	[tilespmem:s15], [sflag:$0x1] =	stream.indirect_vreg.gather [hbm4b:s2+s4], $0x80, v4, vm0, $0xb8;
	[tilespmem:$0x14200] =	vst v63  }
0x18b: {  	_ = 	snop  }
0x18c: {  	[tilespmem:s16], [sflag:$0x1] =	stream.indirect_vreg.gather [hbm4b:s5+s4], $0x80, v4, vm0, $0xb8;
	[tilespmem:$0x14200] =	vst v63  }
0x18d: {  	_ = 	snop  }
0x18e: {  	[tilespmem:s17], [sflag:$0x1] =	stream.indirect_vreg.gather [hbm4b:s2+s4], $0x80, v3, vm0, $0xb8;
	[tilespmem:$0x14200] =	vst v63  }
0x18f: {  	_ = 	snop  }
0x190: {  	[tilespmem:s8], [sflag:$0x1] =	stream.indirect_vreg.gather [hbm4b:s5+s4], $0x80, v3, vm0, $0xb8;
	[tilespmem:$0x14200] =	vst v63  }
0x191: {  	s23 =	rddreg [dreg:$0x16]  }
0x192: {  	[tilespmem:s25], [sflag:$0x1] =	stream.indirect.gather [hbm4b:s0+s24], $0x80, s23, s24, $0xb8;
	[tilespmem:$0x14200] =	vst v63  }
0x193: {  	_ =	swait.ge [sflag:s26], $0x8000  }
0x194: {  	[sflag:s26] =	ssyncset.done $0x0  }
0x195: {  	[sflag:s26] =	ssyncadd.s32 $0xFFFF8000  }
0x196: {  	_ =	swait.ge [sflag:s26], $0x2000  }
0x197: {  	[sflag:s26] =	ssyncset.done $0x0  }
0x198: {  	s30 =	rddreg [dreg:$0xc];
	[sflag:s26] =	ssyncadd.s32 $0xFFFFE000  }
0x199: {  	[hbm4b:s30+s4] =	stream.linear.scatter [tilespmem:s29], [sflag:$0x3], $0x8000, $0x38;
	[tilespmem:$0x14200] =	vst v63  }
0x19a: {  	s3 =	rddreg [dreg:$0xd]  }
0x19b: {  	[hbm4b:s3+s4] =	stream.linear.scatter [tilespmem:s25], [sflag:$0x3], $0x2000, $0x38;
	[tilespmem:$0x14200] =	vst v63  }
0x19c: {  	_ =	swait.ge [sflag:s21], $0x8000  }
0x19d: {  	[sflag:s21] =	ssyncset.done $0x0  }
0x19e: {  	[sflag:s21] =	ssyncadd.s32 $0xFFFF8000  }
0x19f: {  	_ =	swait.ge [sflag:s21], $0x2000  }
0x1a0: {  	[sflag:s21] =	ssyncset.done $0x0  }
0x1a1: {  	[sflag:s21] =	ssyncadd.s32 $0xFFFFE000  }
0x1a2: {  	v3 =	vld [tilespmem:$0x140];
	_ =	sdelay $0x4  }
0x1a3: {  	v52 =	vshll.u32 v3, $0x2  }
0x1a4: {  	v3 =	vand.u32 $0x7, v3;
	v4 =	vand.u32 $0xFFFFFFE0, v52  }
0x1a5: {  	v3 =	vor.u32 v3, v4  }
0x1a6: {  	v4 =	vperm.xlane v3, v0;
	_ =	sdelay $0x1  }
0x1a7: {  	v4 =	vadd.s32 v1, v4;
	_ =	sdelay $0x1  }
0x1a8: {  	v3 =	vperm.xlane v3, v2;
	_ =	sdelay $0x1  }
0x1a9: {  	v3 =	vadd.s32 v1, v3  }
0x1aa: {  	[tilespmem:s28], [sflag:$0x2] =	stream.indirect_vreg.gather [hbm4b:s2+s4], $0x80, v4, vm0, $0xb8;
	[tilespmem:$0x14200] =	vst v63  }
0x1ab: {  	s8 =	simm.s32 $0x8A00  }
0x1ac: {  	[tilespmem:s8], [sflag:$0x2] =	stream.indirect_vreg.gather [hbm4b:s5+s4], $0x80, v4, vm0, $0xb8;
	[tilespmem:$0x14200] =	vst v63  }
0x1ad: {  	s22 =	simm.s32 $0x9200  }
0x1ae: {  	[tilespmem:s22], [sflag:$0x2] =	stream.indirect_vreg.gather [hbm4b:s2+s4], $0x80, v3, vm0, $0xb8;
	[tilespmem:$0x14200] =	vst v63  }
0x1af: {  	s23 =	simm.s32 $0x9A00  }
0x1b0: {  	[tilespmem:s23], [sflag:$0x2] =	stream.indirect_vreg.gather [hbm4b:s5+s4], $0x80, v3, vm0, $0xb8;
	[tilespmem:$0x14200] =	vst v63  }
0x1b1: {  	v3 =	vld [tilespmem:$0x150];
	_ =	sdelay $0x4  }
0x1b2: {  	v53 =	vshll.u32 v3, $0x2  }
0x1b3: {  	v3 =	vand.u32 $0x7, v3;
	v4 =	vand.u32 $0xFFFFFFE0, v53  }
0x1b4: {  	v3 =	vor.u32 v3, v4  }
0x1b5: {  	v4 =	vperm.xlane v3, v0;
	_ =	sdelay $0x1  }
0x1b6: {  	v4 =	vadd.s32 v1, v4;
	_ =	sdelay $0x1  }
0x1b7: {  	v3 =	vperm.xlane v3, v2;
	_ =	sdelay $0x1  }
0x1b8: {  	s22 =	simm.s32 $0xA200;
	v3 =	vadd.s32 v1, v3  }
0x1b9: {  	[tilespmem:s22], [sflag:$0x2] =	stream.indirect_vreg.gather [hbm4b:s2+s4], $0x80, v4, vm0, $0xb8;
	[tilespmem:$0x14200] =	vst v63  }
0x1ba: {  	s23 =	simm.s32 $0xAA00  }
0x1bb: {  	[tilespmem:s23], [sflag:$0x2] =	stream.indirect_vreg.gather [hbm4b:s5+s4], $0x80, v4, vm0, $0xb8;
	[tilespmem:$0x14200] =	vst v63  }
0x1bc: {  	s22 =	simm.s32 $0xB200  }
0x1bd: {  	[tilespmem:s22], [sflag:$0x2] =	stream.indirect_vreg.gather [hbm4b:s2+s4], $0x80, v3, vm0, $0xb8;
	[tilespmem:$0x14200] =	vst v63  }
0x1be: {  	s23 =	simm.s32 $0xBA00  }
0x1bf: {  	[tilespmem:s23], [sflag:$0x2] =	stream.indirect_vreg.gather [hbm4b:s5+s4], $0x80, v3, vm0, $0xb8;
	[tilespmem:$0x14200] =	vst v63  }
0x1c0: {  	v3 =	vld [tilespmem:$0x160];
	_ =	sdelay $0x4  }
0x1c1: {  	v54 =	vshll.u32 v3, $0x2  }
0x1c2: {  	v3 =	vand.u32 $0x7, v3;
	v4 =	vand.u32 $0xFFFFFFE0, v54  }
0x1c3: {  	v3 =	vor.u32 v3, v4  }
0x1c4: {  	v4 =	vperm.xlane v3, v0;
	_ =	sdelay $0x1  }
0x1c5: {  	v4 =	vadd.s32 v1, v4;
	_ =	sdelay $0x1  }
0x1c6: {  	v3 =	vperm.xlane v3, v2;
	_ =	sdelay $0x1  }
0x1c7: {  	s22 =	simm.s32 $0xC200;
	v3 =	vadd.s32 v1, v3  }
0x1c8: {  	[tilespmem:s22], [sflag:$0x2] =	stream.indirect_vreg.gather [hbm4b:s2+s4], $0x80, v4, vm0, $0xb8;
	[tilespmem:$0x14200] =	vst v63  }
0x1c9: {  	s23 =	simm.s32 $0xCA00  }
0x1ca: {  	[tilespmem:s23], [sflag:$0x2] =	stream.indirect_vreg.gather [hbm4b:s5+s4], $0x80, v4, vm0, $0xb8;
	[tilespmem:$0x14200] =	vst v63  }
0x1cb: {  	s22 =	simm.s32 $0xD200  }
0x1cc: {  	[tilespmem:s22], [sflag:$0x2] =	stream.indirect_vreg.gather [hbm4b:s2+s4], $0x80, v3, vm0, $0xb8;
	[tilespmem:$0x14200] =	vst v63  }
0x1cd: {  	s23 =	simm.s32 $0xDA00  }
0x1ce: {  	[tilespmem:s23], [sflag:$0x2] =	stream.indirect_vreg.gather [hbm4b:s5+s4], $0x80, v3, vm0, $0xb8;
	[tilespmem:$0x14200] =	vst v63  }
0x1cf: {  	v3 =	vld [tilespmem:$0x170];
	_ =	sdelay $0x4  }
0x1d0: {  	v55 =	vshll.u32 v3, $0x2  }
0x1d1: {  	v3 =	vand.u32 $0x7, v3;
	v4 =	vand.u32 $0xFFFFFFE0, v55  }
0x1d2: {  	v3 =	vor.u32 v3, v4  }
0x1d3: {  	v4 =	vperm.xlane v3, v0;
	_ =	sdelay $0x1  }
0x1d4: {  	v4 =	vadd.s32 v1, v4;
	_ =	sdelay $0x1  }
0x1d5: {  	v3 =	vperm.xlane v3, v2;
	_ =	sdelay $0x1  }
0x1d6: {  	s22 =	simm.s32 $0xE200;
	v3 =	vadd.s32 v1, v3  }
0x1d7: {  	[tilespmem:s22], [sflag:$0x2] =	stream.indirect_vreg.gather [hbm4b:s2+s4], $0x80, v4, vm0, $0xb8;
	[tilespmem:$0x14200] =	vst v63  }
0x1d8: {  	s23 =	simm.s32 $0xEA00  }
0x1d9: {  	[tilespmem:s23], [sflag:$0x2] =	stream.indirect_vreg.gather [hbm4b:s5+s4], $0x80, v4, vm0, $0xb8;
	[tilespmem:$0x14200] =	vst v63  }
0x1da: {  	s22 =	simm.s32 $0xF200  }
0x1db: {  	[tilespmem:s22], [sflag:$0x2] =	stream.indirect_vreg.gather [hbm4b:s2+s4], $0x80, v3, vm0, $0xb8;
	[tilespmem:$0x14200] =	vst v63  }
0x1dc: {  	s1 =	simm.s32 $0xFA00  }
0x1dd: {  	[tilespmem:s1], [sflag:$0x2] =	stream.indirect_vreg.gather [hbm4b:s5+s4], $0x80, v3, vm0, $0xb8;
	[tilespmem:$0x14200] =	vst v63  }
0x1de: {  	s23 =	rddreg [dreg:$0x17]  }
0x1df: {  	[tilespmem:s18], [sflag:$0x2] =	stream.indirect.gather [hbm4b:s0+s24], $0x80, s23, s24, $0xb8;
	[tilespmem:$0x14200] =	vst v63  }
0x1e0: {  	_ =	swait.ge [sflag:s19], $0x8000  }
0x1e1: {  	[sflag:s19] =	ssyncset.done $0x0  }
0x1e2: {  	[sflag:s19] =	ssyncadd.s32 $0xFFFF8000  }
0x1e3: {  	_ =	swait.ge [sflag:s19], $0x2000  }
0x1e4: {  	[sflag:s19] =	ssyncset.done $0x0  }
0x1e5: {  	s23 =	rddreg [dreg:$0xe];
	[sflag:s19] =	ssyncadd.s32 $0xFFFFE000  }
0x1e6: {  	[hbm4b:s23+s4] =	stream.linear.scatter [tilespmem:s28], [sflag:$0x4], $0x8000, $0x38;
	[tilespmem:$0x14200] =	vst v63  }
0x1e7: {  	s1 =	rddreg [dreg:$0xf]  }
0x1e8: {  	[hbm4b:s1+s4] =	stream.linear.scatter [tilespmem:s18], [sflag:$0x4], $0x2000, $0x38;
	[tilespmem:$0x14200] =	vst v63  }
0x1e9: {  	_ =	swait.ge [sflag:s20], $0x8000  }
0x1ea: {  	[sflag:s20] =	ssyncset.done $0x0  }
0x1eb: {  	[sflag:s20] =	ssyncadd.s32 $0xFFFF8000  }
0x1ec: {  	_ =	swait.ge [sflag:s20], $0x2000  }
0x1ed: {  	[sflag:s20] =	ssyncset.done $0x0  }
0x1ee: {  	[sflag:s20] =	ssyncadd.s32 $0xFFFFE000  }
0x1ef: {  	v3 =	vld [tilespmem:$0x180];
	_ =	sdelay $0x4  }
0x1f0: {  	v56 =	vshll.u32 v3, $0x2  }
0x1f1: {  	v3 =	vand.u32 $0x7, v3;
	v4 =	vand.u32 $0xFFFFFFE0, v56  }
0x1f2: {  	v3 =	vor.u32 v3, v4  }
0x1f3: {  	v4 =	vperm.xlane v3, v0;
	_ =	sdelay $0x1  }
0x1f4: {  	v4 =	vadd.s32 v1, v4;
	_ =	sdelay $0x1  }
0x1f5: {  	v3 =	vperm.xlane v3, v2;
	_ =	sdelay $0x1  }
0x1f6: {  	v3 =	vadd.s32 v1, v3  }
0x1f7: {  	[tilespmem:s29], [sflag:$0x1] =	stream.indirect_vreg.gather [hbm4b:s2+s4], $0x80, v4, vm0, $0xb8;
	[tilespmem:$0x14200] =	vst v63  }
0x1f8: {  	s23 =	simm.s32 $0xA00  }
0x1f9: {  	[tilespmem:s23], [sflag:$0x1] =	stream.indirect_vreg.gather [hbm4b:s5+s4], $0x80, v4, vm0, $0xb8;
	[tilespmem:$0x14200] =	vst v63  }
0x1fa: {  	s31 =	simm.s32 $0x1200  }
0x1fb: {  	[tilespmem:s31], [sflag:$0x1] =	stream.indirect_vreg.gather [hbm4b:s2+s4], $0x80, v3, vm0, $0xb8;
	[tilespmem:$0x14200] =	vst v63  }
0x1fc: {  	s31 =	simm.s32 $0x1A00  }
0x1fd: {  	[tilespmem:s31], [sflag:$0x1] =	stream.indirect_vreg.gather [hbm4b:s5+s4], $0x80, v3, vm0, $0xb8;
	[tilespmem:$0x14200] =	vst v63  }
0x1fe: {  	v3 =	vld [tilespmem:$0x190];
	_ =	sdelay $0x4  }
0x1ff: {  	v57 =	vshll.u32 v3, $0x2  }
0x200: {  	v3 =	vand.u32 $0x7, v3;
	v4 =	vand.u32 $0xFFFFFFE0, v57  }
0x201: {  	v3 =	vor.u32 v3, v4  }
0x202: {  	v4 =	vperm.xlane v3, v0;
	_ =	sdelay $0x1  }
0x203: {  	v4 =	vadd.s32 v1, v4;
	_ =	sdelay $0x1  }
0x204: {  	v3 =	vperm.xlane v3, v2;
	_ =	sdelay $0x1  }
0x205: {  	s9 =	simm.s32 $0x2200;
	v3 =	vadd.s32 v1, v3  }
0x206: {  	[tilespmem:s9], [sflag:$0x1] =	stream.indirect_vreg.gather [hbm4b:s2+s4], $0x80, v4, vm0, $0xb8;
	[tilespmem:$0x14200] =	vst v63  }
0x207: {  	s10 =	simm.s32 $0x2A00  }
0x208: {  	[tilespmem:s10], [sflag:$0x1] =	stream.indirect_vreg.gather [hbm4b:s5+s4], $0x80, v4, vm0, $0xb8;
	[tilespmem:$0x14200] =	vst v63  }
0x209: {  	s11 =	simm.s32 $0x3200  }
0x20a: {  	[tilespmem:s11], [sflag:$0x1] =	stream.indirect_vreg.gather [hbm4b:s2+s4], $0x80, v3, vm0, $0xb8;
	[tilespmem:$0x14200] =	vst v63  }
0x20b: {  	s11 =	simm.s32 $0x3A00  }
0x20c: {  	[tilespmem:s11], [sflag:$0x1] =	stream.indirect_vreg.gather [hbm4b:s5+s4], $0x80, v3, vm0, $0xb8;
	[tilespmem:$0x14200] =	vst v63  }
0x20d: {  	v3 =	vld [tilespmem:$0x1A0];
	_ =	sdelay $0x4  }
0x20e: {  	v58 =	vshll.u32 v3, $0x2  }
0x20f: {  	v3 =	vand.u32 $0x7, v3;
	v4 =	vand.u32 $0xFFFFFFE0, v58  }
0x210: {  	v3 =	vor.u32 v3, v4  }
0x211: {  	v4 =	vperm.xlane v3, v0;
	_ =	sdelay $0x1  }
0x212: {  	v4 =	vadd.s32 v1, v4;
	_ =	sdelay $0x1  }
0x213: {  	v3 =	vperm.xlane v3, v2;
	_ =	sdelay $0x1  }
0x214: {  	s12 =	simm.s32 $0x4200;
	v3 =	vadd.s32 v1, v3  }
0x215: {  	[tilespmem:s12], [sflag:$0x1] =	stream.indirect_vreg.gather [hbm4b:s2+s4], $0x80, v4, vm0, $0xb8;
	[tilespmem:$0x14200] =	vst v63  }
0x216: {  	s13 =	simm.s32 $0x4A00  }
0x217: {  	[tilespmem:s13], [sflag:$0x1] =	stream.indirect_vreg.gather [hbm4b:s5+s4], $0x80, v4, vm0, $0xb8;
	[tilespmem:$0x14200] =	vst v63  }
0x218: {  	s14 =	simm.s32 $0x5200  }
0x219: {  	[tilespmem:s14], [sflag:$0x1] =	stream.indirect_vreg.gather [hbm4b:s2+s4], $0x80, v3, vm0, $0xb8;
	[tilespmem:$0x14200] =	vst v63  }
0x21a: {  	s22 =	simm.s32 $0x5A00  }
0x21b: {  	[tilespmem:s22], [sflag:$0x1] =	stream.indirect_vreg.gather [hbm4b:s5+s4], $0x80, v3, vm0, $0xb8;
	[tilespmem:$0x14200] =	vst v63  }
0x21c: {  	v3 =	vld [tilespmem:$0x1B0];
	_ =	sdelay $0x4  }
0x21d: {  	v59 =	vshll.u32 v3, $0x2  }
0x21e: {  	v3 =	vand.u32 $0x7, v3;
	v4 =	vand.u32 $0xFFFFFFE0, v59  }
0x21f: {  	v3 =	vor.u32 v3, v4  }
0x220: {  	v4 =	vperm.xlane v3, v0;
	_ =	sdelay $0x1  }
0x221: {  	v4 =	vadd.s32 v1, v4;
	_ =	sdelay $0x1  }
0x222: {  	v3 =	vperm.xlane v3, v2;
	_ =	sdelay $0x1  }
0x223: {  	s15 =	simm.s32 $0x6200;
	v3 =	vadd.s32 v1, v3  }
0x224: {  	[tilespmem:s15], [sflag:$0x1] =	stream.indirect_vreg.gather [hbm4b:s2+s4], $0x80, v4, vm0, $0xb8;
	[tilespmem:$0x14200] =	vst v63  }
0x225: {  	s16 =	simm.s32 $0x6A00  }
0x226: {  	[tilespmem:s16], [sflag:$0x1] =	stream.indirect_vreg.gather [hbm4b:s5+s4], $0x80, v4, vm0, $0xb8;
	[tilespmem:$0x14200] =	vst v63  }
0x227: {  	s17 =	simm.s32 $0x7200  }
0x228: {  	[tilespmem:s17], [sflag:$0x1] =	stream.indirect_vreg.gather [hbm4b:s2+s4], $0x80, v3, vm0, $0xb8;
	[tilespmem:$0x14200] =	vst v63  }
0x229: {  	s7 =	simm.s32 $0x7A00  }
0x22a: {  	[tilespmem:s7], [sflag:$0x1] =	stream.indirect_vreg.gather [hbm4b:s5+s4], $0x80, v3, vm0, $0xb8;
	[tilespmem:$0x14200] =	vst v63  }
0x22b: {  	s23 =	rddreg [dreg:$0x18]  }
0x22c: {  	[tilespmem:s25], [sflag:$0x1] =	stream.indirect.gather [hbm4b:s0+s24], $0x80, s23, s24, $0xb8;
	[tilespmem:$0x14200] =	vst v63  }
0x22d: {  	_ =	swait.ge [sflag:s26], $0x8000  }
0x22e: {  	[sflag:s26] =	ssyncset.done $0x0  }
0x22f: {  	[sflag:s26] =	ssyncadd.s32 $0xFFFF8000  }
0x230: {  	_ =	swait.ge [sflag:s26], $0x2000  }
0x231: {  	[sflag:s26] =	ssyncset.done $0x0  }
0x232: {  	s31 =	rddreg [dreg:$0x10];
	[sflag:s26] =	ssyncadd.s32 $0xFFFFE000  }
0x233: {  	[hbm4b:s31+s4] =	stream.linear.scatter [tilespmem:s29], [sflag:$0x3], $0x8000, $0x38;
	[tilespmem:$0x14200] =	vst v63  }
0x234: {  	s1 =	rddreg [dreg:$0x11]  }
0x235: {  	[hbm4b:s1+s4] =	stream.linear.scatter [tilespmem:s25], [sflag:$0x3], $0x2000, $0x38;
	[tilespmem:$0x14200] =	vst v63  }
0x236: {  	_ =	swait.ge [sflag:s21], $0x8000  }
0x237: {  	[sflag:s21] =	ssyncset.done $0x0  }
0x238: {  	[sflag:s21] =	ssyncadd.s32 $0xFFFF8000  }
0x239: {  	_ =	swait.ge [sflag:s21], $0x2000  }
0x23a: {  	[sflag:s21] =	ssyncset.done $0x0  }
0x23b: {  	[sflag:s21] =	ssyncadd.s32 $0xFFFFE000  }
0x23c: {  	v3 =	vld [tilespmem:$0x1C0];
	_ =	sdelay $0x4  }
0x23d: {  	v60 =	vshll.u32 v3, $0x2  }
0x23e: {  	v3 =	vand.u32 $0x7, v3;
	v4 =	vand.u32 $0xFFFFFFE0, v60  }
0x23f: {  	v3 =	vor.u32 v3, v4  }
0x240: {  	v4 =	vperm.xlane v3, v0;
	_ =	sdelay $0x1  }
0x241: {  	v4 =	vadd.s32 v1, v4;
	_ =	sdelay $0x1  }
0x242: {  	v3 =	vperm.xlane v3, v2;
	_ =	sdelay $0x1  }
0x243: {  	v3 =	vadd.s32 v1, v3  }
0x244: {  	[tilespmem:s28], [sflag:$0x2] =	stream.indirect_vreg.gather [hbm4b:s2+s4], $0x80, v4, vm0, $0xb8;
	[tilespmem:$0x14200] =	vst v63  }
0x245: {  	s3 =	simm.s32 $0x8A00  }
0x246: {  	[tilespmem:s3], [sflag:$0x2] =	stream.indirect_vreg.gather [hbm4b:s5+s4], $0x80, v4, vm0, $0xb8;
	[tilespmem:$0x14200] =	vst v63  }
0x247: {  	s30 =	simm.s32 $0x9200  }
0x248: {  	[tilespmem:s30], [sflag:$0x2] =	stream.indirect_vreg.gather [hbm4b:s2+s4], $0x80, v3, vm0, $0xb8;
	[tilespmem:$0x14200] =	vst v63  }
0x249: {  	s3 =	simm.s32 $0x9A00  }
0x24a: {  	[tilespmem:s3], [sflag:$0x2] =	stream.indirect_vreg.gather [hbm4b:s5+s4], $0x80, v3, vm0, $0xb8;
	[tilespmem:$0x14200] =	vst v63  }
0x24b: {  	v3 =	vld [tilespmem:$0x1D0];
	_ =	sdelay $0x4  }
0x24c: {  	v61 =	vshll.u32 v3, $0x2  }
0x24d: {  	v3 =	vand.u32 $0x7, v3;
	v4 =	vand.u32 $0xFFFFFFE0, v61  }
0x24e: {  	v3 =	vor.u32 v3, v4  }
0x24f: {  	v4 =	vperm.xlane v3, v0;
	_ =	sdelay $0x1  }
0x250: {  	v4 =	vadd.s32 v1, v4;
	_ =	sdelay $0x1  }
0x251: {  	v3 =	vperm.xlane v3, v2;
	_ =	sdelay $0x1  }
0x252: {  	s7 =	simm.s32 $0xA200;
	v3 =	vadd.s32 v1, v3  }
0x253: {  	[tilespmem:s7], [sflag:$0x2] =	stream.indirect_vreg.gather [hbm4b:s2+s4], $0x80, v4, vm0, $0xb8;
	[tilespmem:$0x14200] =	vst v63  }
0x254: {  	s9 =	simm.s32 $0xAA00  }
0x255: {  	[tilespmem:s9], [sflag:$0x2] =	stream.indirect_vreg.gather [hbm4b:s5+s4], $0x80, v4, vm0, $0xb8;
	[tilespmem:$0x14200] =	vst v63  }
0x256: {  	s10 =	simm.s32 $0xB200  }
0x257: {  	[tilespmem:s10], [sflag:$0x2] =	stream.indirect_vreg.gather [hbm4b:s2+s4], $0x80, v3, vm0, $0xb8;
	[tilespmem:$0x14200] =	vst v63  }
0x258: {  	s11 =	simm.s32 $0xBA00  }
0x259: {  	[tilespmem:s11], [sflag:$0x2] =	stream.indirect_vreg.gather [hbm4b:s5+s4], $0x80, v3, vm0, $0xb8;
	[tilespmem:$0x14200] =	vst v63  }
0x25a: {  	v3 =	vld [tilespmem:$0x1E0];
	_ =	sdelay $0x4  }
0x25b: {  	v62 =	vshll.u32 v3, $0x2  }
0x25c: {  	v3 =	vand.u32 $0x7, v3;
	v4 =	vand.u32 $0xFFFFFFE0, v62  }
0x25d: {  	v3 =	vor.u32 v3, v4  }
0x25e: {  	v4 =	vperm.xlane v3, v0;
	_ =	sdelay $0x1  }
0x25f: {  	v4 =	vadd.s32 v1, v4;
	_ =	sdelay $0x1  }
0x260: {  	v3 =	vperm.xlane v3, v2;
	_ =	sdelay $0x1  }
0x261: {  	s12 =	simm.s32 $0xC200;
	v3 =	vadd.s32 v1, v3  }
0x262: {  	[tilespmem:s12], [sflag:$0x2] =	stream.indirect_vreg.gather [hbm4b:s2+s4], $0x80, v4, vm0, $0xb8;
	[tilespmem:$0x14200] =	vst v63  }
0x263: {  	s13 =	simm.s32 $0xCA00  }
0x264: {  	[tilespmem:s13], [sflag:$0x2] =	stream.indirect_vreg.gather [hbm4b:s5+s4], $0x80, v4, vm0, $0xb8;
	[tilespmem:$0x14200] =	vst v63  }
0x265: {  	s14 =	simm.s32 $0xD200  }
0x266: {  	[tilespmem:s14], [sflag:$0x2] =	stream.indirect_vreg.gather [hbm4b:s2+s4], $0x80, v3, vm0, $0xb8;
	[tilespmem:$0x14200] =	vst v63  }
0x267: {  	s15 =	simm.s32 $0xDA00  }
0x268: {  	[tilespmem:s15], [sflag:$0x2] =	stream.indirect_vreg.gather [hbm4b:s5+s4], $0x80, v3, vm0, $0xb8;
	[tilespmem:$0x14200] =	vst v63  }
0x269: {  	v3 =	vld [tilespmem:$0x1F0];
	_ =	sdelay $0x4  }
0x26a: {  	v63 =	vshll.u32 v3, $0x2  }
0x26b: {  	v3 =	vand.u32 $0x7, v3;
	v4 =	vand.u32 $0xFFFFFFE0, v63  }
0x26c: {  	v3 =	vor.u32 v3, v4  }
0x26d: {  	v4 =	vperm.xlane v3, v0;
	_ =	sdelay $0x1  }
0x26e: {  	v4 =	vadd.s32 v1, v4;
	_ =	sdelay $0x1  }
0x26f: {  	v3 =	vperm.xlane v3, v2;
	_ =	sdelay $0x1  }
0x270: {  	s16 =	simm.s32 $0xE200;
	v3 =	vadd.s32 v1, v3  }
0x271: {  	[tilespmem:s16], [sflag:$0x2] =	stream.indirect_vreg.gather [hbm4b:s2+s4], $0x80, v4, vm0, $0xb8;
	[tilespmem:$0x14200] =	vst v63  }
0x272: {  	s17 =	simm.s32 $0xEA00  }
0x273: {  	[tilespmem:s17], [sflag:$0x2] =	stream.indirect_vreg.gather [hbm4b:s5+s4], $0x80, v4, vm0, $0xb8;
	[tilespmem:$0x14200] =	vst v63  }
0x274: {  	s22 =	simm.s32 $0xF200  }
0x275: {  	[tilespmem:s22], [sflag:$0x2] =	stream.indirect_vreg.gather [hbm4b:s2+s4], $0x80, v3, vm0, $0xb8;
	[tilespmem:$0x14200] =	vst v63  }
0x276: {  	s8 =	simm.s32 $0xFA00  }
0x277: {  	[tilespmem:s8], [sflag:$0x2] =	stream.indirect_vreg.gather [hbm4b:s5+s4], $0x80, v3, vm0, $0xb8;
	[tilespmem:$0x14200] =	vst v63  }
0x278: {  	s23 =	rddreg [dreg:$0x19]  }
0x279: {  	[tilespmem:s18], [sflag:$0x2] =	stream.indirect.gather [hbm4b:s0+s24], $0x80, s23, s24, $0xb8;
	[tilespmem:$0x14200] =	vst v63  }
0x27a: {  	_ =	swait.ge [sflag:s19], $0x8000  }
0x27b: {  	[sflag:s19] =	ssyncset.done $0x0  }
0x27c: {  	[sflag:s19] =	ssyncadd.s32 $0xFFFF8000  }
0x27d: {  	_ =	swait.ge [sflag:s19], $0x2000  }
0x27e: {  	[sflag:s19] =	ssyncset.done $0x0  }
0x27f: {  	s30 =	rddreg [dreg:$0x12];
	[sflag:s19] =	ssyncadd.s32 $0xFFFFE000  }
0x280: {  	[hbm4b:s30+s4] =	stream.linear.scatter [tilespmem:s28], [sflag:$0x4], $0x8000, $0x38;
	[tilespmem:$0x14200] =	vst v63  }
0x281: {  	s31 =	rddreg [dreg:$0x13]  }
0x282: {  	[hbm4b:s31+s4] =	stream.linear.scatter [tilespmem:s18], [sflag:$0x4], $0x2000, $0x38;
	[tilespmem:$0x14200] =	vst v63  }
0x283: {  	_ =	swait.ge [sflag:s20], $0x8000  }
0x284: {  	[sflag:s20] =	ssyncset.done $0x0  }
0x285: {  	[sflag:s20] =	ssyncadd.s32 $0xFFFF8000  }
0x286: {  	_ =	swait.ge [sflag:s20], $0x2000  }
0x287: {  	[sflag:s20] =	ssyncset.done $0x0  }
0x288: {  	[sflag:s20] =	ssyncadd.s32 $0xFFFFE000  }
0x289: {  	p0 =	sne.s32 s6, $0x1;
	_ =	swait.ge [sflag:s21], $0x8000  }
.Ltmp0:
0x28a: {  	[sflag:s21] =	ssyncset.done $0x0;
	(pc) =	sbr.rel @p0 .LBB2_1-.Ltmp0, $4  }
0x28b: {  	[sflag:s21] =	ssyncadd.s32 $0xFFFF8000  }
0x28c: {  	_ =	swait.ge [sflag:s21], $0x2000  }
0x28d: {  	[sflag:s21] =	ssyncset.done $0x0  }
0x28e: {  	s6 =	sadd.s32 $0xFFFFFFFF, s6;
	[sflag:s21] =	ssyncadd.s32 $0xFFFFE000  }
0x28f: {  	_ =	sfence.sel $0x180000  }
0x290: {  	[bflag:$0x0] =	sbarrier.arrive $0xFFFF  }
0x291: {  	_ =	strace $0x90000047  }
0x292: {  	s0 =	stileid.u32;
	[bflag:$0x2] =	sbarrier.arrive $0xFFFF  }
0x293: {  	p0 =	sne.s32 s0, $0x0;
	s0 =	rddreg [dreg:$0x2]  }
0x294: {  	s0 =	sadd.s32 @!p0 $0x100000, s0  }
0x295: {  	[sflag:s0] =	ssyncadd.tile.s32 @!p0 $0x1;
	_ =	shalt  }
.Lfunc_end2:
_tile_overlayer_lowered:
.L_overlay_start_2:
0x296: {  	(tag) =	ssettag $0x2  }
0x297: {  	s0 =	rddreg [dreg:$0x0];
	s2 =	stileid.u32  }
0x298: {  	s1 =	rddreg [dreg:$0x1];
	p0 =	sne.s32 s2, $0x0  }
0x299: {  	s3 =	rddreg [dreg:$0x2];
	[bflag:$0x3] =	sbarrier.arrive $0xFFFF;
	s2 =	simm.s32 @!p0 $0x1C05  }
0x29a: {  	[timem:s3], [sflag:s2] =	dma.local @!p0 [hbm:s0], s1  }
0x29b: {  	s0 =	simm.s32 @!p0 $0x5  }
0x29c: {  	_ =	swait.ge @!p0 [sflag:s0], s1  }
0x29d: {  	s1 =	ssub.s32 @!p0 $0x0, s1;
	[sflag:s0] =	ssyncset.done @!p0 $0x0  }
0x29e: {  	[sflag:s0] =	ssyncadd.s32 @!p0 s1  }
0x29f: {  	[bflag:$0x3] =	sbarrier.arrive $0xFFFF  }
0x2a0: {  	_ =	shalt  }

</sc_bundles>
